<compile_context>
chip_gen: v7x
topology: tpu7x:2x2x1
jax: 0.10.2.dev20260603
libtpu: 0.0.44.dev20260713+nightly
codegen_flags: <defaults>
</compile_context>

<pallas_src>
import functools

import jax
import jax.numpy as jnp
from jax import lax
from jax.experimental import pallas as pl
from jax.experimental.pallas import tpu as pltpu
from jax.experimental.pallas import tpu_sc as plsc

N_NODES = 10000
N_EDGES = 320000
FEATS = 128
NC, NS = 2, 16
NPAD = 10240
SLICE = NPAD // NS
CHUNK = 80
EPW = N_EDGES // (NC * NS)
NCHUNK = EPW // CHUNK
G = 25
NG = NCHUNK // G
NR = 3
RB = 2000
NRB = N_NODES // RB

_mesh = plsc.VectorSubcoreMesh(core_axis_name="c", subcore_axis_name="s")


@functools.partial(
    pl.kernel,
    out_type=jax.ShapeDtypeStruct((NC, NPAD), jnp.float32),
    mesh=_mesh,
    scratch_types=[
        pltpu.VMEM((2, G, CHUNK), jnp.int32),
        pltpu.VMEM((CHUNK,), jnp.float32),
        pltpu.VMEM((SLICE,), jnp.float32),
        pltpu.VMEM_SHARED((NPAD,), jnp.float32),
        pltpu.SemaphoreType.DMA((2,)),
        pltpu.SemaphoreType.DMA((2,)),
    ],
)
def _deg_kernel(ei_hbm, degp_hbm, idx_v, ones_v, zer_v, deg_sh, isems, csems):
    c = lax.axis_index("c")
    s = lax.axis_index("s")
    one = jnp.full((16,), 1.0, jnp.float32)
    for k in range(CHUNK // 16):
        ones_v[pl.ds(k * 16, 16)] = one
    zero = jnp.zeros((16,), jnp.float32)
    for k in range(SLICE // 16):
        zer_v[pl.ds(k * 16, 16)] = zero
    pltpu.sync_copy(zer_v, deg_sh.at[pl.ds(s * SLICE, SLICE)])
    plsc.subcore_barrier()
    pltpu.sync_copy(ei_hbm.at[1, c, s, 0], idx_v.at[0])

    def step(j, carry):
        g = lax.div(j, G)
        jj = lax.rem(j, G)
        gb = lax.rem(g, 2)
        ngb = 1 - gb
        b = lax.rem(j, 2)

        @pl.when((jj == 0) & (g + 1 < NG))
        def _():
            pltpu.async_copy(ei_hbm.at[1, c, s, g + 1], idx_v.at[ngb],
                             isems.at[ngb])

        @pl.when((jj == G - 1) & (g + 1 < NG))
        def _():
            pltpu.make_async_copy(ei_hbm.at[1, c, s, g + 1], idx_v.at[ngb],
                                  isems.at[ngb]).wait()

        @pl.when(j >= 2)
        def _():
            pltpu.make_async_copy(ones_v, deg_sh.at[idx_v.at[gb, jj]],
                                  csems.at[b]).wait()

        pltpu.async_copy(ones_v, deg_sh.at[idx_v.at[gb, jj]], csems.at[b],
                         add=True)
        return carry

    lax.fori_loop(0, NCHUNK, step, 0)
    for p in range(2):
        pltpu.make_async_copy(ones_v, deg_sh.at[idx_v.at[0, 0]],
                              csems.at[(NCHUNK - 1 - p) % 2]).wait()
    plsc.subcore_barrier()
    pltpu.sync_copy(deg_sh.at[pl.ds(s * SLICE, SLICE)],
                    degp_hbm.at[c, pl.ds(s * SLICE, SLICE)])


@functools.partial(
    pl.kernel,
    out_type=jax.ShapeDtypeStruct((NC, NPAD, FEATS), jnp.float32),
    mesh=_mesh,
    scratch_types=[
        pltpu.VMEM((2, G, CHUNK), jnp.int32),
        pltpu.VMEM((2, G, CHUNK), jnp.int32),
        pltpu.VMEM((NR, CHUNK, FEATS), jnp.float32),
        pltpu.VMEM_SHARED((NPAD, FEATS), jnp.float32),
        pltpu.SemaphoreType.DMA((NR,)),
        pltpu.SemaphoreType.DMA((2,)),
        pltpu.SemaphoreType.DMA((2,)),
        pltpu.SemaphoreType.DMA((NR,)),
    ],
)
def _agg_kernel(h_hbm, ei_hbm, aggp_hbm, src_v, dst_v, rows_v,
                agg_sh, sems, ssems, dsems, scsems):
    c = lax.axis_index("c")
    s = lax.axis_index("s")
    zero = jnp.zeros((16,), jnp.float32)

    def zrow(i, carry):
        for k in range(FEATS // 16):
            rows_v[0, i, pl.ds(k * 16, 16)] = zero
        return carry

    lax.fori_loop(0, CHUNK, zrow, 0)
    for b in range(SLICE // CHUNK):
        pltpu.sync_copy(rows_v.at[0],
                        agg_sh.at[pl.ds(s * SLICE + b * CHUNK, CHUNK)])
    plsc.subcore_barrier()

    pltpu.sync_copy(ei_hbm.at[0, c, s, 0], src_v.at[0])
    pltpu.sync_copy(ei_hbm.at[1, c, s, 0], dst_v.at[0])
    pltpu.async_copy(h_hbm.at[src_v.at[0, 0]], rows_v.at[0], sems.at[0])

    def step(j, carry):
        g = lax.div(j, G)
        jj = lax.rem(j, G)
        gb = lax.rem(g, 2)
        ngb = 1 - gb
        b = lax.rem(j, NR)
        nb = lax.rem(j + 1, NR)

        @pl.when((jj == 0) & (g + 1 < NG))
        def _():
            pltpu.async_copy(ei_hbm.at[0, c, s, g + 1],
                             src_v.at[ngb], ssems.at[ngb])
            pltpu.async_copy(ei_hbm.at[1, c, s, g + 1],
                             dst_v.at[ngb], dsems.at[ngb])

        @pl.when((jj == G - 1) & (g + 1 < NG))
        def _():
            pltpu.make_async_copy(ei_hbm.at[0, c, s, g + 1],
                                  src_v.at[ngb], ssems.at[ngb]).wait()
            pltpu.make_async_copy(ei_hbm.at[1, c, s, g + 1],
                                  dst_v.at[ngb], dsems.at[ngb]).wait()

        @pl.when(j >= NR - 1)
        def _():
            pltpu.make_async_copy(rows_v.at[nb],
                                  agg_sh.at[dst_v.at[gb, jj]],
                                  scsems.at[nb]).wait()

        @pl.when(j + 1 < NCHUNK)
        def _():
            g1 = lax.div(j + 1, G)
            jj1 = lax.rem(j + 1, G)
            pltpu.async_copy(h_hbm.at[src_v.at[lax.rem(g1, 2), jj1]],
                             rows_v.at[nb], sems.at[nb])

        pltpu.make_async_copy(h_hbm.at[src_v.at[gb, jj]], rows_v.at[b],
                              sems.at[b]).wait()
        pltpu.async_copy(rows_v.at[b], agg_sh.at[dst_v.at[gb, jj]],
                         scsems.at[b], add=True)
        return carry

    lax.fori_loop(0, NCHUNK, step, 0)
    for p in range(NR - 1):
        pltpu.make_async_copy(rows_v.at[0], agg_sh.at[dst_v.at[0, 0]],
                              scsems.at[(NCHUNK - 1 - p) % NR]).wait()
    plsc.subcore_barrier()
    pltpu.sync_copy(agg_sh.at[pl.ds(s * SLICE, SLICE)],
                    aggp_hbm.at[c, pl.ds(s * SLICE, SLICE)])


def _h_body(degp_ref, feat_ref, h_ref, norm_ref):
    deg = degp_ref[0] + degp_ref[1]
    norm = lax.rsqrt(jnp.maximum(deg, 1.0))[:N_NODES, None]
    norm_ref[...] = norm
    h_ref[...] = feat_ref[...] * norm


_h_call = pl.pallas_call(
    _h_body,
    out_shape=(jax.ShapeDtypeStruct((N_NODES, FEATS), jnp.float32),
               jax.ShapeDtypeStruct((N_NODES, 1), jnp.float32)),
)


def _out_body(aggp_ref, w_ref, norm_ref, bias_ref, out_ref):
    agg = aggp_ref[0] + aggp_ref[1]
    r = jnp.dot(agg, w_ref[...], preferred_element_type=jnp.float32)
    out_ref[...] = r * norm_ref[...] + bias_ref[...]


_out_call = pl.pallas_call(
    _out_body,
    grid=(NRB,),
    in_specs=[
        pl.BlockSpec((NC, RB, FEATS), lambda i: (0, i, 0)),
        pl.BlockSpec((FEATS, FEATS), lambda i: (0, 0)),
        pl.BlockSpec((RB, 1), lambda i: (i, 0)),
        pl.BlockSpec((1, FEATS), lambda i: (0, 0)),
    ],
    out_specs=pl.BlockSpec((RB, FEATS), lambda i: (i, 0)),
    out_shape=jax.ShapeDtypeStruct((N_NODES, FEATS), jnp.float32),
)


def kernel(feat, edge_index, weight, bias):
    ei = edge_index.reshape(2, NC, NS, NG, G, CHUNK)
    degp = _deg_kernel(ei)
    h, norm = _h_call(degp, feat)
    aggp = _agg_kernel(h, ei)
    return _out_call(aggp, weight, norm, bias.reshape(1, FEATS))

# --- scband reference (transcript-rebuilt; emitter-appended) ---
"""Pipeline reference for scband-graph-conv-14001593385076 (READ-ONLY COPY).

The authoritative reference and input builder live on the scoring server;
editing this copy changes nothing except your own understanding.
"""

import jax, jax.numpy as jnp
import numpy as np

N_NODES = 10000
N_EDGES = 320000
IN_FEATS = 128
OUT_FEATS = 128


def setup_inputs(seed: int = 0) -> dict:
    key = jax.random.key(seed)
    k1, k2, k3 = jax.random.split(key, 3)
    feat = jax.random.normal(k1, (N_NODES, IN_FEATS), dtype=jnp.float32)
    edge_index = jax.random.randint(k2, (2, N_EDGES), 0, N_NODES, dtype=jnp.int32)
    # Glorot uniform init for weight, zeros for bias (as in original module)
    limit = float(np.sqrt(6.0 / (IN_FEATS + OUT_FEATS)))
    weight = jax.random.uniform(k3, (IN_FEATS, OUT_FEATS), dtype=jnp.float32,
                                minval=-limit, maxval=limit)
    bias = jnp.zeros((OUT_FEATS,), dtype=jnp.float32)
    return {"feat": feat, "edge_index": edge_index, "weight": weight, "bias": bias}


def reference(feat, edge_index, weight, bias):
    src = edge_index[0]
    dst = edge_index[1]
    n_edges = src.shape[0]
    # in-degree of each node (number of incoming edges at dst)
    deg = jax.ops.segment_sum(jnp.ones((n_edges,), dtype=jnp.float32), dst,
                              num_segments=N_NODES)
    deg = jnp.clip(deg, 1.0, None)
    norm = jnp.power(deg, -0.5)[:, None]  # (N, 1)
    # pre-normalize source features
    h = feat * norm
    # in_feats == out_feats -> aggregate first, then matmul (else branch)
    msgs = jnp.take(h, src, axis=0)  # gather from source nodes
    agg = jax.ops.segment_sum(msgs, dst, num_segments=N_NODES)  # scatter-add to dst
    rst = jnp.matmul(agg, weight)
    rst = rst * norm
    rst = rst + bias
    return rst

if __name__ == "__main__":
    import jax
    _d = setup_inputs()
    print(jax.jit(kernel)(*tuple(_d.values())))

</pallas_src>

<mosaic_0001>
#map = affine_map<(d0, d1) -> (0, 0)>
#map1 = affine_map<(d0, d1) -> (0, 0, 0, 0, 0, 0)>
#map2 = affine_map<(d0, d1) -> (0, 0, 0)>
module attributes {stable_mosaic.version = 14 : i64} {
  func.func @_agg_kernel(%arg0: i32, %arg1: i32, %arg2: memref<10000x128xf32, #tpu.memory_space<hbm>>, %arg3: memref<2x2x16x5x25x80xi32, #tpu.memory_space<hbm>>, %arg4: memref<2x10240x128xf32, #tpu.memory_space<hbm>>, %arg5: memref<2x25x80xi32, #tpu.memory_space<vmem>>, %arg6: memref<2x25x80xi32, #tpu.memory_space<vmem>>, %arg7: memref<3x80x128xf32, #tpu.memory_space<vmem>>, %arg8: memref<10240x128xf32, #tpu.memory_space<vmem_shared>>, %arg9: memref<3x!tpu.dma_semaphore, #tpu.memory_space<semaphore_mem>>, %arg10: memref<2x!tpu.dma_semaphore, #tpu.memory_space<semaphore_mem>>, %arg11: memref<2x!tpu.dma_semaphore, #tpu.memory_space<semaphore_mem>>, %arg12: memref<3x!tpu.dma_semaphore, #tpu.memory_space<semaphore_mem>>) attributes {dimension_semantics = [#tpu.dimension_semantics<core_parallel>, #tpu.dimension_semantics<subcore_parallel>], iteration_bounds = array<i64: 2, 16>, scalar_prefetch = 0 : i64, scratch_operands = 8 : i64, tpu.core_type = #tpu.core_type<sc_vector_subcore>, window_params = [{transform_indices = #map}, {transform_indices = #map1}, {transform_indices = #map2}]} {
    %broadcast_in_dim3A = arith.constant 0.000000e+00 : f32
    %broadcast_in_dim3A_0 = vector.broadcast %broadcast_in_dim3A : f32 to vector<16xf32>
    %scan3A = arith.constant 0 : i32
    %scan3A_1 = arith.constant 0 : i32
    %scan3A_2 = arith.constant 80 : i32
    %scan3A_3 = arith.addi %scan3A_1, %scan3A_2 : i32
    %scan3A_4 = arith.constant 1 : i32
    scf.for %scan3A_106 = %scan3A_1 to %scan3A_3 step %scan3A_4  : i32 {
      %swap3A = arith.constant 0 : i32
      %swap3A_107 = arith.index_cast %swap3A : i32 to index
      %swap3A_108 = arith.index_cast %scan3A_106 : i32 to index
      %swap3A_109 = arith.constant 0 : index
      %swap3A_110 = tpu.vector_load %arg7[%swap3A_107, %swap3A_108, %swap3A_109] {strides = array<i32>} : memref<3x80x128xf32, #tpu.memory_space<vmem>>, vector<1x1x16xf32>,
      %swap3A_111 = vector.shape_cast %swap3A_110 : vector<1x1x16xf32> to vector<16xf32>
      %swap3A_112 = vector.shape_cast %broadcast_in_dim3A_0 : vector<16xf32> to vector<1x1x16xf32>
      tpu.vector_store %arg7[%swap3A_107, %swap3A_108, %swap3A_109], %swap3A_112 {strides = array<i32>} : memref<3x80x128xf32, #tpu.memory_space<vmem>>, vector<1x1x16xf32>,
      %swap3A_113 = arith.constant 0 : i32
      %swap3A_114 = arith.index_cast %swap3A_113 : i32 to index
      %swap3A_115 = arith.index_cast %scan3A_106 : i32 to index
      %swap3A_116 = arith.constant 16 : index
      %swap3A_117 = tpu.vector_load %arg7[%swap3A_114, %swap3A_115, %swap3A_116] {strides = array<i32>} : memref<3x80x128xf32, #tpu.memory_space<vmem>>, vector<1x1x16xf32>,
      %swap3A_118 = vector.shape_cast %swap3A_117 : vector<1x1x16xf32> to vector<16xf32>
      %swap3A_119 = vector.shape_cast %broadcast_in_dim3A_0 : vector<16xf32> to vector<1x1x16xf32>
      tpu.vector_store %arg7[%swap3A_114, %swap3A_115, %swap3A_116], %swap3A_119 {strides = array<i32>} : memref<3x80x128xf32, #tpu.memory_space<vmem>>, vector<1x1x16xf32>,
      %swap3A_120 = arith.constant 0 : i32
      %swap3A_121 = arith.index_cast %swap3A_120 : i32 to index
      %swap3A_122 = arith.index_cast %scan3A_106 : i32 to index
      %swap3A_123 = arith.constant 32 : index
      %swap3A_124 = tpu.vector_load %arg7[%swap3A_121, %swap3A_122, %swap3A_123] {strides = array<i32>} : memref<3x80x128xf32, #tpu.memory_space<vmem>>, vector<1x1x16xf32>,
      %swap3A_125 = vector.shape_cast %swap3A_124 : vector<1x1x16xf32> to vector<16xf32>
      %swap3A_126 = vector.shape_cast %broadcast_in_dim3A_0 : vector<16xf32> to vector<1x1x16xf32>
      tpu.vector_store %arg7[%swap3A_121, %swap3A_122, %swap3A_123], %swap3A_126 {strides = array<i32>} : memref<3x80x128xf32, #tpu.memory_space<vmem>>, vector<1x1x16xf32>,
      %swap3A_127 = arith.constant 0 : i32
      %swap3A_128 = arith.index_cast %swap3A_127 : i32 to index
      %swap3A_129 = arith.index_cast %scan3A_106 : i32 to index
      %swap3A_130 = arith.constant 48 : index
      %swap3A_131 = tpu.vector_load %arg7[%swap3A_128, %swap3A_129, %swap3A_130] {strides = array<i32>} : memref<3x80x128xf32, #tpu.memory_space<vmem>>, vector<1x1x16xf32>,
      %swap3A_132 = vector.shape_cast %swap3A_131 : vector<1x1x16xf32> to vector<16xf32>
      %swap3A_133 = vector.shape_cast %broadcast_in_dim3A_0 : vector<16xf32> to vector<1x1x16xf32>
      tpu.vector_store %arg7[%swap3A_128, %swap3A_129, %swap3A_130], %swap3A_133 {strides = array<i32>} : memref<3x80x128xf32, #tpu.memory_space<vmem>>, vector<1x1x16xf32>,
      %swap3A_134 = arith.constant 0 : i32
      %swap3A_135 = arith.index_cast %swap3A_134 : i32 to index
      %swap3A_136 = arith.index_cast %scan3A_106 : i32 to index
      %swap3A_137 = arith.constant 64 : index
      %swap3A_138 = tpu.vector_load %arg7[%swap3A_135, %swap3A_136, %swap3A_137] {strides = array<i32>} : memref<3x80x128xf32, #tpu.memory_space<vmem>>, vector<1x1x16xf32>,
      %swap3A_139 = vector.shape_cast %swap3A_138 : vector<1x1x16xf32> to vector<16xf32>
      %swap3A_140 = vector.shape_cast %broadcast_in_dim3A_0 : vector<16xf32> to vector<1x1x16xf32>
      tpu.vector_store %arg7[%swap3A_135, %swap3A_136, %swap3A_137], %swap3A_140 {strides = array<i32>} : memref<3x80x128xf32, #tpu.memory_space<vmem>>, vector<1x1x16xf32>,
      %swap3A_141 = arith.constant 0 : i32
      %swap3A_142 = arith.index_cast %swap3A_141 : i32 to index
      %swap3A_143 = arith.index_cast %scan3A_106 : i32 to index
      %swap3A_144 = arith.constant 80 : index
      %swap3A_145 = tpu.vector_load %arg7[%swap3A_142, %swap3A_143, %swap3A_144] {strides = array<i32>} : memref<3x80x128xf32, #tpu.memory_space<vmem>>, vector<1x1x16xf32>,
      %swap3A_146 = vector.shape_cast %swap3A_145 : vector<1x1x16xf32> to vector<16xf32>
      %swap3A_147 = vector.shape_cast %broadcast_in_dim3A_0 : vector<16xf32> to vector<1x1x16xf32>
      tpu.vector_store %arg7[%swap3A_142, %swap3A_143, %swap3A_144], %swap3A_147 {strides = array<i32>} : memref<3x80x128xf32, #tpu.memory_space<vmem>>, vector<1x1x16xf32>,
      %swap3A_148 = arith.constant 0 : i32
      %swap3A_149 = arith.index_cast %swap3A_148 : i32 to index
      %swap3A_150 = arith.index_cast %scan3A_106 : i32 to index
      %swap3A_151 = arith.constant 96 : index
      %swap3A_152 = tpu.vector_load %arg7[%swap3A_149, %swap3A_150, %swap3A_151] {strides = array<i32>} : memref<3x80x128xf32, #tpu.memory_space<vmem>>, vector<1x1x16xf32>,
      %swap3A_153 = vector.shape_cast %swap3A_152 : vector<1x1x16xf32> to vector<16xf32>
      %swap3A_154 = vector.shape_cast %broadcast_in_dim3A_0 : vector<16xf32> to vector<1x1x16xf32>
      tpu.vector_store %arg7[%swap3A_149, %swap3A_150, %swap3A_151], %swap3A_154 {strides = array<i32>} : memref<3x80x128xf32, #tpu.memory_space<vmem>>, vector<1x1x16xf32>,
      %swap3A_155 = arith.constant 0 : i32
      %swap3A_156 = arith.index_cast %swap3A_155 : i32 to index
      %swap3A_157 = arith.index_cast %scan3A_106 : i32 to index
      %swap3A_158 = arith.constant 112 : index
      %swap3A_159 = tpu.vector_load %arg7[%swap3A_156, %swap3A_157, %swap3A_158] {strides = array<i32>} : memref<3x80x128xf32, #tpu.memory_space<vmem>>, vector<1x1x16xf32>,
      %swap3A_160 = vector.shape_cast %swap3A_159 : vector<1x1x16xf32> to vector<16xf32>
      %swap3A_161 = vector.shape_cast %broadcast_in_dim3A_0 : vector<16xf32> to vector<1x1x16xf32>
      tpu.vector_store %arg7[%swap3A_156, %swap3A_157, %swap3A_158], %swap3A_161 {strides = array<i32>} : memref<3x80x128xf32, #tpu.memory_space<vmem>>, vector<1x1x16xf32>,
    }
    %scan3A_5 = arith.constant 80 : i32
    %mul3A = arith.constant 640 : i32
    %mul3A_6 = arith.muli %arg1, %mul3A : i32
    %add3A = arith.constant 0 : i32
    %add3A_7 = arith.addi %mul3A_6, %add3A : i32
    %run_scoped3A = arith.constant 0 : i32
    "tpu.region"() ({
      %run_scoped3A_106 = tpu.sem_alloc : memref<!tpu.dma_semaphore, #tpu.memory_space<semaphore_mem>>
      %dma_start3A_107 = arith.constant 0 : i32
      %dma_start3A_108 = arith.constant 0 : i32
      %dma_start3A_109 = tpu.memref_slice %arg7[%run_scoped3A, %dma_start3A_107, %dma_start3A_108] : memref<3x80x128xf32, #tpu.memory_space<vmem>> -> memref<1x80x128xf32, #tpu.memory_space<vmem>>
      %dma_start3A_110 = tpu.memref_squeeze %dma_start3A_109 : memref<1x80x128xf32, #tpu.memory_space<vmem>> -> memref<80x128xf32, #tpu.memory_space<vmem>>
      %dma_start3A_111 = arith.constant 0 : i32
      %dma_start3A_112 = tpu.memref_slice %arg8[%add3A_7, %dma_start3A_111] : memref<10240x128xf32, #tpu.memory_space<vmem_shared>> -> memref<80x128xf32, #tpu.memory_space<vmem_shared>>
      %dma_start3A_113 = arith.constant 0 : i32
      %dma_start3A_114 = tpu.memref_slice %arg8[%add3A_7, %dma_start3A_113] : memref<10240x128xf32, #tpu.memory_space<vmem_shared>> -> memref<80x128xf32, #tpu.memory_space<vmem_shared>>
      %dma_start3A_115 = arith.constant 0 : i32
      %dma_start3A_116 = arith.constant 0 : i32
      %dma_start3A_117 = tpu.memref_slice %arg7[%run_scoped3A, %dma_start3A_115, %dma_start3A_116] : memref<3x80x128xf32, #tpu.memory_space<vmem>> -> memref<1x80x128xf32, #tpu.memory_space<vmem>>
      %dma_start3A_118 = tpu.memref_squeeze %dma_start3A_117 : memref<1x80x128xf32, #tpu.memory_space<vmem>> -> memref<80x128xf32, #tpu.memory_space<vmem>>
      tpu.enqueue_dma source(%dma_start3A_118 : memref<80x128xf32, #tpu.memory_space<vmem>>) target(%dma_start3A_114 : memref<80x128xf32, #tpu.memory_space<vmem_shared>>) target_semaphore(%run_scoped3A_106 : memref<!tpu.dma_semaphore, #tpu.memory_space<semaphore_mem>>)
      %dma_wait3A_119 = arith.constant 0 : i32
      %dma_wait3A_120 = arith.constant 0 : i32
      %dma_wait3A_121 = tpu.memref_slice %arg7[%run_scoped3A, %dma_wait3A_119, %dma_wait3A_120] : memref<3x80x128xf32, #tpu.memory_space<vmem>> -> memref<1x80x128xf32, #tpu.memory_space<vmem>>
      %dma_wait3A_122 = tpu.memref_squeeze %dma_wait3A_121 : memref<1x80x128xf32, #tpu.memory_space<vmem>> -> memref<80x128xf32, #tpu.memory_space<vmem>>
      %dma_wait3A_123 = arith.constant 0 : i32
      %dma_wait3A_124 = tpu.memref_slice %arg8[%add3A_7, %dma_wait3A_123] : memref<10240x128xf32, #tpu.memory_space<vmem_shared>> -> memref<80x128xf32, #tpu.memory_space<vmem_shared>>
      %dma_wait3A_125 = arith.constant 0 : i32
      %dma_wait3A_126 = tpu.memref_slice %arg8[%add3A_7, %dma_wait3A_125] : memref<10240x128xf32, #tpu.memory_space<vmem_shared>> -> memref<80x128xf32, #tpu.memory_space<vmem_shared>>
      %dma_wait3A_127 = arith.constant 0 : i32
      %dma_wait3A_128 = arith.constant 0 : i32
      %dma_wait3A_129 = tpu.memref_slice %arg7[%run_scoped3A, %dma_wait3A_127, %dma_wait3A_128] : memref<3x80x128xf32, #tpu.memory_space<vmem>> -> memref<1x80x128xf32, #tpu.memory_space<vmem>>
      %dma_wait3A_130 = tpu.memref_squeeze %dma_wait3A_129 : memref<1x80x128xf32, #tpu.memory_space<vmem>> -> memref<80x128xf32, #tpu.memory_space<vmem>>
      tpu.wait_dma2 semaphore(%run_scoped3A_106 : memref<!tpu.dma_semaphore, #tpu.memory_space<semaphore_mem>>) src(%dma_wait3A_130 : memref<80x128xf32, #tpu.memory_space<vmem>>) dst(%dma_wait3A_126 : memref<80x128xf32, #tpu.memory_space<vmem_shared>>)
      tpu.yield
    }) : () -> ()
    %mul3A_8 = arith.constant 640 : i32
    %mul3A_9 = arith.muli %arg1, %mul3A_8 : i32
    %add3A_10 = arith.constant 80 : i32
    %add3A_11 = arith.addi %mul3A_9, %add3A_10 : i32
    %run_scoped3A_12 = arith.constant 0 : i32
    "tpu.region"() ({
      %run_scoped3A_106 = tpu.sem_alloc : memref<!tpu.dma_semaphore, #tpu.memory_space<semaphore_mem>>
      %dma_start3A_107 = arith.constant 0 : i32
      %dma_start3A_108 = arith.constant 0 : i32
      %dma_start3A_109 = tpu.memref_slice %arg7[%run_scoped3A_12, %dma_start3A_107, %dma_start3A_108] : memref<3x80x128xf32, #tpu.memory_space<vmem>> -> memref<1x80x128xf32, #tpu.memory_space<vmem>>
      %dma_start3A_110 = tpu.memref_squeeze %dma_start3A_109 : memref<1x80x128xf32, #tpu.memory_space<vmem>> -> memref<80x128xf32, #tpu.memory_space<vmem>>
      %dma_start3A_111 = arith.constant 0 : i32
      %dma_start3A_112 = tpu.memref_slice %arg8[%add3A_11, %dma_start3A_111] : memref<10240x128xf32, #tpu.memory_space<vmem_shared>> -> memref<80x128xf32, #tpu.memory_space<vmem_shared>>
      %dma_start3A_113 = arith.constant 0 : i32
      %dma_start3A_114 = tpu.memref_slice %arg8[%add3A_11, %dma_start3A_113] : memref<10240x128xf32, #tpu.memory_space<vmem_shared>> -> memref<80x128xf32, #tpu.memory_space<vmem_shared>>
      %dma_start3A_115 = arith.constant 0 : i32
      %dma_start3A_116 = arith.constant 0 : i32
      %dma_start3A_117 = tpu.memref_slice %arg7[%run_scoped3A_12, %dma_start3A_115, %dma_start3A_116] : memref<3x80x128xf32, #tpu.memory_space<vmem>> -> memref<1x80x128xf32, #tpu.memory_space<vmem>>
      %dma_start3A_118 = tpu.memref_squeeze %dma_start3A_117 : memref<1x80x128xf32, #tpu.memory_space<vmem>> -> memref<80x128xf32, #tpu.memory_space<vmem>>
      tpu.enqueue_dma source(%dma_start3A_118 : memref<80x128xf32, #tpu.memory_space<vmem>>) target(%dma_start3A_114 : memref<80x128xf32, #tpu.memory_space<vmem_shared>>) target_semaphore(%run_scoped3A_106 : memref<!tpu.dma_semaphore, #tpu.memory_space<semaphore_mem>>)
      %dma_wait3A_119 = arith.constant 0 : i32
      %dma_wait3A_120 = arith.constant 0 : i32
      %dma_wait3A_121 = tpu.memref_slice %arg7[%run_scoped3A_12, %dma_wait3A_119, %dma_wait3A_120] : memref<3x80x128xf32, #tpu.memory_space<vmem>> -> memref<1x80x128xf32, #tpu.memory_space<vmem>>
      %dma_wait3A_122 = tpu.memref_squeeze %dma_wait3A_121 : memref<1x80x128xf32, #tpu.memory_space<vmem>> -> memref<80x128xf32, #tpu.memory_space<vmem>>
      %dma_wait3A_123 = arith.constant 0 : i32
      %dma_wait3A_124 = tpu.memref_slice %arg8[%add3A_11, %dma_wait3A_123] : memref<10240x128xf32, #tpu.memory_space<vmem_shared>> -> memref<80x128xf32, #tpu.memory_space<vmem_shared>>
      %dma_wait3A_125 = arith.constant 0 : i32
      %dma_wait3A_126 = tpu.memref_slice %arg8[%add3A_11, %dma_wait3A_125] : memref<10240x128xf32, #tpu.memory_space<vmem_shared>> -> memref<80x128xf32, #tpu.memory_space<vmem_shared>>
      %dma_wait3A_127 = arith.constant 0 : i32
      %dma_wait3A_128 = arith.constant 0 : i32
      %dma_wait3A_129 = tpu.memref_slice %arg7[%run_scoped3A_12, %dma_wait3A_127, %dma_wait3A_128] : memref<3x80x128xf32, #tpu.memory_space<vmem>> -> memref<1x80x128xf32, #tpu.memory_space<vmem>>
      %dma_wait3A_130 = tpu.memref_squeeze %dma_wait3A_129 : memref<1x80x128xf32, #tpu.memory_space<vmem>> -> memref<80x128xf32, #tpu.memory_space<vmem>>
      tpu.wait_dma2 semaphore(%run_scoped3A_106 : memref<!tpu.dma_semaphore, #tpu.memory_space<semaphore_mem>>) src(%dma_wait3A_130 : memref<80x128xf32, #tpu.memory_space<vmem>>) dst(%dma_wait3A_126 : memref<80x128xf32, #tpu.memory_space<vmem_shared>>)
      tpu.yield
    }) : () -> ()
    %mul3A_13 = arith.constant 640 : i32
    %mul3A_14 = arith.muli %arg1, %mul3A_13 : i32
    %add3A_15 = arith.constant 160 : i32
    %add3A_16 = arith.addi %mul3A_14, %add3A_15 : i32
    %run_scoped3A_17 = arith.constant 0 : i32
    "tpu.region"() ({
      %run_scoped3A_106 = tpu.sem_alloc : memref<!tpu.dma_semaphore, #tpu.memory_space<semaphore_mem>>
      %dma_start3A_107 = arith.constant 0 : i32
      %dma_start3A_108 = arith.constant 0 : i32
      %dma_start3A_109 = tpu.memref_slice %arg7[%run_scoped3A_17, %dma_start3A_107, %dma_start3A_108] : memref<3x80x128xf32, #tpu.memory_space<vmem>> -> memref<1x80x128xf32, #tpu.memory_space<vmem>>
      %dma_start3A_110 = tpu.memref_squeeze %dma_start3A_109 : memref<1x80x128xf32, #tpu.memory_space<vmem>> -> memref<80x128xf32, #tpu.memory_space<vmem>>
      %dma_start3A_111 = arith.constant 0 : i32
      %dma_start3A_112 = tpu.memref_slice %arg8[%add3A_16, %dma_start3A_111] : memref<10240x128xf32, #tpu.memory_space<vmem_shared>> -> memref<80x128xf32, #tpu.memory_space<vmem_shared>>
      %dma_start3A_113 = arith.constant 0 : i32
      %dma_start3A_114 = tpu.memref_slice %arg8[%add3A_16, %dma_start3A_113] : memref<10240x128xf32, #tpu.memory_space<vmem_shared>> -> memref<80x128xf32, #tpu.memory_space<vmem_shared>>
      %dma_start3A_115 = arith.constant 0 : i32
      %dma_start3A_116 = arith.constant 0 : i32
      %dma_start3A_117 = tpu.memref_slice %arg7[%run_scoped3A_17, %dma_start3A_115, %dma_start3A_116] : memref<3x80x128xf32, #tpu.memory_space<vmem>> -> memref<1x80x128xf32, #tpu.memory_space<vmem>>
      %dma_start3A_118 = tpu.memref_squeeze %dma_start3A_117 : memref<1x80x128xf32, #tpu.memory_space<vmem>> -> memref<80x128xf32, #tpu.memory_space<vmem>>
      tpu.enqueue_dma source(%dma_start3A_118 : memref<80x128xf32, #tpu.memory_space<vmem>>) target(%dma_start3A_114 : memref<80x128xf32, #tpu.memory_space<vmem_shared>>) target_semaphore(%run_scoped3A_106 : memref<!tpu.dma_semaphore, #tpu.memory_space<semaphore_mem>>)
      %dma_wait3A_119 = arith.constant 0 : i32
      %dma_wait3A_120 = arith.constant 0 : i32
      %dma_wait3A_121 = tpu.memref_slice %arg7[%run_scoped3A_17, %dma_wait3A_119, %dma_wait3A_120] : memref<3x80x128xf32, #tpu.memory_space<vmem>> -> memref<1x80x128xf32, #tpu.memory_space<vmem>>
      %dma_wait3A_122 = tpu.memref_squeeze %dma_wait3A_121 : memref<1x80x128xf32, #tpu.memory_space<vmem>> -> memref<80x128xf32, #tpu.memory_space<vmem>>
      %dma_wait3A_123 = arith.constant 0 : i32
      %dma_wait3A_124 = tpu.memref_slice %arg8[%add3A_16, %dma_wait3A_123] : memref<10240x128xf32, #tpu.memory_space<vmem_shared>> -> memref<80x128xf32, #tpu.memory_space<vmem_shared>>
      %dma_wait3A_125 = arith.constant 0 : i32
      %dma_wait3A_126 = tpu.memref_slice %arg8[%add3A_16, %dma_wait3A_125] : memref<10240x128xf32, #tpu.memory_space<vmem_shared>> -> memref<80x128xf32, #tpu.memory_space<vmem_shared>>
      %dma_wait3A_127 = arith.constant 0 : i32
      %dma_wait3A_128 = arith.constant 0 : i32
      %dma_wait3A_129 = tpu.memref_slice %arg7[%run_scoped3A_17, %dma_wait3A_127, %dma_wait3A_128] : memref<3x80x128xf32, #tpu.memory_space<vmem>> -> memref<1x80x128xf32, #tpu.memory_space<vmem>>
      %dma_wait3A_130 = tpu.memref_squeeze %dma_wait3A_129 : memref<1x80x128xf32, #tpu.memory_space<vmem>> -> memref<80x128xf32, #tpu.memory_space<vmem>>
      tpu.wait_dma2 semaphore(%run_scoped3A_106 : memref<!tpu.dma_semaphore, #tpu.memory_space<semaphore_mem>>) src(%dma_wait3A_130 : memref<80x128xf32, #tpu.memory_space<vmem>>) dst(%dma_wait3A_126 : memref<80x128xf32, #tpu.memory_space<vmem_shared>>)
      tpu.yield
    }) : () -> ()
    %mul3A_18 = arith.constant 640 : i32
    %mul3A_19 = arith.muli %arg1, %mul3A_18 : i32
    %add3A_20 = arith.constant 240 : i32
    %add3A_21 = arith.addi %mul3A_19, %add3A_20 : i32
    %run_scoped3A_22 = arith.constant 0 : i32
    "tpu.region"() ({
      %run_scoped3A_106 = tpu.sem_alloc : memref<!tpu.dma_semaphore, #tpu.memory_space<semaphore_mem>>
      %dma_start3A_107 = arith.constant 0 : i32
      %dma_start3A_108 = arith.constant 0 : i32
      %dma_start3A_109 = tpu.memref_slice %arg7[%run_scoped3A_22, %dma_start3A_107, %dma_start3A_108] : memref<3x80x128xf32, #tpu.memory_space<vmem>> -> memref<1x80x128xf32, #tpu.memory_space<vmem>>
      %dma_start3A_110 = tpu.memref_squeeze %dma_start3A_109 : memref<1x80x128xf32, #tpu.memory_space<vmem>> -> memref<80x128xf32, #tpu.memory_space<vmem>>
      %dma_start3A_111 = arith.constant 0 : i32
      %dma_start3A_112 = tpu.memref_slice %arg8[%add3A_21, %dma_start3A_111] : memref<10240x128xf32, #tpu.memory_space<vmem_shared>> -> memref<80x128xf32, #tpu.memory_space<vmem_shared>>
      %dma_start3A_113 = arith.constant 0 : i32
      %dma_start3A_114 = tpu.memref_slice %arg8[%add3A_21, %dma_start3A_113] : memref<10240x128xf32, #tpu.memory_space<vmem_shared>> -> memref<80x128xf32, #tpu.memory_space<vmem_shared>>
      %dma_start3A_115 = arith.constant 0 : i32
      %dma_start3A_116 = arith.constant 0 : i32
      %dma_start3A_117 = tpu.memref_slice %arg7[%run_scoped3A_22, %dma_start3A_115, %dma_start3A_116] : memref<3x80x128xf32, #tpu.memory_space<vmem>> -> memref<1x80x128xf32, #tpu.memory_space<vmem>>
      %dma_start3A_118 = tpu.memref_squeeze %dma_start3A_117 : memref<1x80x128xf32, #tpu.memory_space<vmem>> -> memref<80x128xf32, #tpu.memory_space<vmem>>
      tpu.enqueue_dma source(%dma_start3A_118 : memref<80x128xf32, #tpu.memory_space<vmem>>) target(%dma_start3A_114 : memref<80x128xf32, #tpu.memory_space<vmem_shared>>) target_semaphore(%run_scoped3A_106 : memref<!tpu.dma_semaphore, #tpu.memory_space<semaphore_mem>>)
      %dma_wait3A_119 = arith.constant 0 : i32
      %dma_wait3A_120 = arith.constant 0 : i32
      %dma_wait3A_121 = tpu.memref_slice %arg7[%run_scoped3A_22, %dma_wait3A_119, %dma_wait3A_120] : memref<3x80x128xf32, #tpu.memory_space<vmem>> -> memref<1x80x128xf32, #tpu.memory_space<vmem>>
      %dma_wait3A_122 = tpu.memref_squeeze %dma_wait3A_121 : memref<1x80x128xf32, #tpu.memory_space<vmem>> -> memref<80x128xf32, #tpu.memory_space<vmem>>
      %dma_wait3A_123 = arith.constant 0 : i32
      %dma_wait3A_124 = tpu.memref_slice %arg8[%add3A_21, %dma_wait3A_123] : memref<10240x128xf32, #tpu.memory_space<vmem_shared>> -> memref<80x128xf32, #tpu.memory_space<vmem_shared>>
      %dma_wait3A_125 = arith.constant 0 : i32
      %dma_wait3A_126 = tpu.memref_slice %arg8[%add3A_21, %dma_wait3A_125] : memref<10240x128xf32, #tpu.memory_space<vmem_shared>> -> memref<80x128xf32, #tpu.memory_space<vmem_shared>>
      %dma_wait3A_127 = arith.constant 0 : i32
      %dma_wait3A_128 = arith.constant 0 : i32
      %dma_wait3A_129 = tpu.memref_slice %arg7[%run_scoped3A_22, %dma_wait3A_127, %dma_wait3A_128] : memref<3x80x128xf32, #tpu.memory_space<vmem>> -> memref<1x80x128xf32, #tpu.memory_space<vmem>>
      %dma_wait3A_130 = tpu.memref_squeeze %dma_wait3A_129 : memref<1x80x128xf32, #tpu.memory_space<vmem>> -> memref<80x128xf32, #tpu.memory_space<vmem>>
      tpu.wait_dma2 semaphore(%run_scoped3A_106 : memref<!tpu.dma_semaphore, #tpu.memory_space<semaphore_mem>>) src(%dma_wait3A_130 : memref<80x128xf32, #tpu.memory_space<vmem>>) dst(%dma_wait3A_126 : memref<80x128xf32, #tpu.memory_space<vmem_shared>>)
      tpu.yield
    }) : () -> ()
    %mul3A_23 = arith.constant 640 : i32
    %mul3A_24 = arith.muli %arg1, %mul3A_23 : i32
    %add3A_25 = arith.constant 320 : i32
    %add3A_26 = arith.addi %mul3A_24, %add3A_25 : i32
    %run_scoped3A_27 = arith.constant 0 : i32
    "tpu.region"() ({
      %run_scoped3A_106 = tpu.sem_alloc : memref<!tpu.dma_semaphore, #tpu.memory_space<semaphore_mem>>
      %dma_start3A_107 = arith.constant 0 : i32
      %dma_start3A_108 = arith.constant 0 : i32
      %dma_start3A_109 = tpu.memref_slice %arg7[%run_scoped3A_27, %dma_start3A_107, %dma_start3A_108] : memref<3x80x128xf32, #tpu.memory_space<vmem>> -> memref<1x80x128xf32, #tpu.memory_space<vmem>>
      %dma_start3A_110 = tpu.memref_squeeze %dma_start3A_109 : memref<1x80x128xf32, #tpu.memory_space<vmem>> -> memref<80x128xf32, #tpu.memory_space<vmem>>
      %dma_start3A_111 = arith.constant 0 : i32
      %dma_start3A_112 = tpu.memref_slice %arg8[%add3A_26, %dma_start3A_111] : memref<10240x128xf32, #tpu.memory_space<vmem_shared>> -> memref<80x128xf32, #tpu.memory_space<vmem_shared>>
      %dma_start3A_113 = arith.constant 0 : i32
      %dma_start3A_114 = tpu.memref_slice %arg8[%add3A_26, %dma_start3A_113] : memref<10240x128xf32, #tpu.memory_space<vmem_shared>> -> memref<80x128xf32, #tpu.memory_space<vmem_shared>>
      %dma_start3A_115 = arith.constant 0 : i32
      %dma_start3A_116 = arith.constant 0 : i32
      %dma_start3A_117 = tpu.memref_slice %arg7[%run_scoped3A_27, %dma_start3A_115, %dma_start3A_116] : memref<3x80x128xf32, #tpu.memory_space<vmem>> -> memref<1x80x128xf32, #tpu.memory_space<vmem>>
      %dma_start3A_118 = tpu.memref_squeeze %dma_start3A_117 : memref<1x80x128xf32, #tpu.memory_space<vmem>> -> memref<80x128xf32, #tpu.memory_space<vmem>>
      tpu.enqueue_dma source(%dma_start3A_118 : memref<80x128xf32, #tpu.memory_space<vmem>>) target(%dma_start3A_114 : memref<80x128xf32, #tpu.memory_space<vmem_shared>>) target_semaphore(%run_scoped3A_106 : memref<!tpu.dma_semaphore, #tpu.memory_space<semaphore_mem>>)
      %dma_wait3A_119 = arith.constant 0 : i32
      %dma_wait3A_120 = arith.constant 0 : i32
      %dma_wait3A_121 = tpu.memref_slice %arg7[%run_scoped3A_27, %dma_wait3A_119, %dma_wait3A_120] : memref<3x80x128xf32, #tpu.memory_space<vmem>> -> memref<1x80x128xf32, #tpu.memory_space<vmem>>
      %dma_wait3A_122 = tpu.memref_squeeze %dma_wait3A_121 : memref<1x80x128xf32, #tpu.memory_space<vmem>> -> memref<80x128xf32, #tpu.memory_space<vmem>>
      %dma_wait3A_123 = arith.constant 0 : i32
      %dma_wait3A_124 = tpu.memref_slice %arg8[%add3A_26, %dma_wait3A_123] : memref<10240x128xf32, #tpu.memory_space<vmem_shared>> -> memref<80x128xf32, #tpu.memory_space<vmem_shared>>
      %dma_wait3A_125 = arith.constant 0 : i32
      %dma_wait3A_126 = tpu.memref_slice %arg8[%add3A_26, %dma_wait3A_125] : memref<10240x128xf32, #tpu.memory_space<vmem_shared>> -> memref<80x128xf32, #tpu.memory_space<vmem_shared>>
      %dma_wait3A_127 = arith.constant 0 : i32
      %dma_wait3A_128 = arith.constant 0 : i32
      %dma_wait3A_129 = tpu.memref_slice %arg7[%run_scoped3A_27, %dma_wait3A_127, %dma_wait3A_128] : memref<3x80x128xf32, #tpu.memory_space<vmem>> -> memref<1x80x128xf32, #tpu.memory_space<vmem>>
      %dma_wait3A_130 = tpu.memref_squeeze %dma_wait3A_129 : memref<1x80x128xf32, #tpu.memory_space<vmem>> -> memref<80x128xf32, #tpu.memory_space<vmem>>
      tpu.wait_dma2 semaphore(%run_scoped3A_106 : memref<!tpu.dma_semaphore, #tpu.memory_space<semaphore_mem>>) src(%dma_wait3A_130 : memref<80x128xf32, #tpu.memory_space<vmem>>) dst(%dma_wait3A_126 : memref<80x128xf32, #tpu.memory_space<vmem_shared>>)
      tpu.yield
    }) : () -> ()
    %mul3A_28 = arith.constant 640 : i32
    %mul3A_29 = arith.muli %arg1, %mul3A_28 : i32
    %add3A_30 = arith.constant 400 : i32
    %add3A_31 = arith.addi %mul3A_29, %add3A_30 : i32
    %run_scoped3A_32 = arith.constant 0 : i32
    "tpu.region"() ({
      %run_scoped3A_106 = tpu.sem_alloc : memref<!tpu.dma_semaphore, #tpu.memory_space<semaphore_mem>>
      %dma_start3A_107 = arith.constant 0 : i32
      %dma_start3A_108 = arith.constant 0 : i32
      %dma_start3A_109 = tpu.memref_slice %arg7[%run_scoped3A_32, %dma_start3A_107, %dma_start3A_108] : memref<3x80x128xf32, #tpu.memory_space<vmem>> -> memref<1x80x128xf32, #tpu.memory_space<vmem>>
      %dma_start3A_110 = tpu.memref_squeeze %dma_start3A_109 : memref<1x80x128xf32, #tpu.memory_space<vmem>> -> memref<80x128xf32, #tpu.memory_space<vmem>>
      %dma_start3A_111 = arith.constant 0 : i32
      %dma_start3A_112 = tpu.memref_slice %arg8[%add3A_31, %dma_start3A_111] : memref<10240x128xf32, #tpu.memory_space<vmem_shared>> -> memref<80x128xf32, #tpu.memory_space<vmem_shared>>
      %dma_start3A_113 = arith.constant 0 : i32
      %dma_start3A_114 = tpu.memref_slice %arg8[%add3A_31, %dma_start3A_113] : memref<10240x128xf32, #tpu.memory_space<vmem_shared>> -> memref<80x128xf32, #tpu.memory_space<vmem_shared>>
      %dma_start3A_115 = arith.constant 0 : i32
      %dma_start3A_116 = arith.constant 0 : i32
      %dma_start3A_117 = tpu.memref_slice %arg7[%run_scoped3A_32, %dma_start3A_115, %dma_start3A_116] : memref<3x80x128xf32, #tpu.memory_space<vmem>> -> memref<1x80x128xf32, #tpu.memory_space<vmem>>
      %dma_start3A_118 = tpu.memref_squeeze %dma_start3A_117 : memref<1x80x128xf32, #tpu.memory_space<vmem>> -> memref<80x128xf32, #tpu.memory_space<vmem>>
      tpu.enqueue_dma source(%dma_start3A_118 : memref<80x128xf32, #tpu.memory_space<vmem>>) target(%dma_start3A_114 : memref<80x128xf32, #tpu.memory_space<vmem_shared>>) target_semaphore(%run_scoped3A_106 : memref<!tpu.dma_semaphore, #tpu.memory_space<semaphore_mem>>)
      %dma_wait3A_119 = arith.constant 0 : i32
      %dma_wait3A_120 = arith.constant 0 : i32
      %dma_wait3A_121 = tpu.memref_slice %arg7[%run_scoped3A_32, %dma_wait3A_119, %dma_wait3A_120] : memref<3x80x128xf32, #tpu.memory_space<vmem>> -> memref<1x80x128xf32, #tpu.memory_space<vmem>>
      %dma_wait3A_122 = tpu.memref_squeeze %dma_wait3A_121 : memref<1x80x128xf32, #tpu.memory_space<vmem>> -> memref<80x128xf32, #tpu.memory_space<vmem>>
      %dma_wait3A_123 = arith.constant 0 : i32
      %dma_wait3A_124 = tpu.memref_slice %arg8[%add3A_31, %dma_wait3A_123] : memref<10240x128xf32, #tpu.memory_space<vmem_shared>> -> memref<80x128xf32, #tpu.memory_space<vmem_shared>>
      %dma_wait3A_125 = arith.constant 0 : i32
      %dma_wait3A_126 = tpu.memref_slice %arg8[%add3A_31, %dma_wait3A_125] : memref<10240x128xf32, #tpu.memory_space<vmem_shared>> -> memref<80x128xf32, #tpu.memory_space<vmem_shared>>
      %dma_wait3A_127 = arith.constant 0 : i32
      %dma_wait3A_128 = arith.constant 0 : i32
      %dma_wait3A_129 = tpu.memref_slice %arg7[%run_scoped3A_32, %dma_wait3A_127, %dma_wait3A_128] : memref<3x80x128xf32, #tpu.memory_space<vmem>> -> memref<1x80x128xf32, #tpu.memory_space<vmem>>
      %dma_wait3A_130 = tpu.memref_squeeze %dma_wait3A_129 : memref<1x80x128xf32, #tpu.memory_space<vmem>> -> memref<80x128xf32, #tpu.memory_space<vmem>>
      tpu.wait_dma2 semaphore(%run_scoped3A_106 : memref<!tpu.dma_semaphore, #tpu.memory_space<semaphore_mem>>) src(%dma_wait3A_130 : memref<80x128xf32, #tpu.memory_space<vmem>>) dst(%dma_wait3A_126 : memref<80x128xf32, #tpu.memory_space<vmem_shared>>)
      tpu.yield
    }) : () -> ()
    %mul3A_33 = arith.constant 640 : i32
    %mul3A_34 = arith.muli %arg1, %mul3A_33 : i32
    %add3A_35 = arith.constant 480 : i32
    %add3A_36 = arith.addi %mul3A_34, %add3A_35 : i32
    %run_scoped3A_37 = arith.constant 0 : i32
    "tpu.region"() ({
      %run_scoped3A_106 = tpu.sem_alloc : memref<!tpu.dma_semaphore, #tpu.memory_space<semaphore_mem>>
      %dma_start3A_107 = arith.constant 0 : i32
      %dma_start3A_108 = arith.constant 0 : i32
      %dma_start3A_109 = tpu.memref_slice %arg7[%run_scoped3A_37, %dma_start3A_107, %dma_start3A_108] : memref<3x80x128xf32, #tpu.memory_space<vmem>> -> memref<1x80x128xf32, #tpu.memory_space<vmem>>
      %dma_start3A_110 = tpu.memref_squeeze %dma_start3A_109 : memref<1x80x128xf32, #tpu.memory_space<vmem>> -> memref<80x128xf32, #tpu.memory_space<vmem>>
      %dma_start3A_111 = arith.constant 0 : i32
      %dma_start3A_112 = tpu.memref_slice %arg8[%add3A_36, %dma_start3A_111] : memref<10240x128xf32, #tpu.memory_space<vmem_shared>> -> memref<80x128xf32, #tpu.memory_space<vmem_shared>>
      %dma_start3A_113 = arith.constant 0 : i32
      %dma_start3A_114 = tpu.memref_slice %arg8[%add3A_36, %dma_start3A_113] : memref<10240x128xf32, #tpu.memory_space<vmem_shared>> -> memref<80x128xf32, #tpu.memory_space<vmem_shared>>
      %dma_start3A_115 = arith.constant 0 : i32
      %dma_start3A_116 = arith.constant 0 : i32
      %dma_start3A_117 = tpu.memref_slice %arg7[%run_scoped3A_37, %dma_start3A_115, %dma_start3A_116] : memref<3x80x128xf32, #tpu.memory_space<vmem>> -> memref<1x80x128xf32, #tpu.memory_space<vmem>>
      %dma_start3A_118 = tpu.memref_squeeze %dma_start3A_117 : memref<1x80x128xf32, #tpu.memory_space<vmem>> -> memref<80x128xf32, #tpu.memory_space<vmem>>
      tpu.enqueue_dma source(%dma_start3A_118 : memref<80x128xf32, #tpu.memory_space<vmem>>) target(%dma_start3A_114 : memref<80x128xf32, #tpu.memory_space<vmem_shared>>) target_semaphore(%run_scoped3A_106 : memref<!tpu.dma_semaphore, #tpu.memory_space<semaphore_mem>>)
      %dma_wait3A_119 = arith.constant 0 : i32
      %dma_wait3A_120 = arith.constant 0 : i32
      %dma_wait3A_121 = tpu.memref_slice %arg7[%run_scoped3A_37, %dma_wait3A_119, %dma_wait3A_120] : memref<3x80x128xf32, #tpu.memory_space<vmem>> -> memref<1x80x128xf32, #tpu.memory_space<vmem>>
      %dma_wait3A_122 = tpu.memref_squeeze %dma_wait3A_121 : memref<1x80x128xf32, #tpu.memory_space<vmem>> -> memref<80x128xf32, #tpu.memory_space<vmem>>
      %dma_wait3A_123 = arith.constant 0 : i32
      %dma_wait3A_124 = tpu.memref_slice %arg8[%add3A_36, %dma_wait3A_123] : memref<10240x128xf32, #tpu.memory_space<vmem_shared>> -> memref<80x128xf32, #tpu.memory_space<vmem_shared>>
      %dma_wait3A_125 = arith.constant 0 : i32
      %dma_wait3A_126 = tpu.memref_slice %arg8[%add3A_36, %dma_wait3A_125] : memref<10240x128xf32, #tpu.memory_space<vmem_shared>> -> memref<80x128xf32, #tpu.memory_space<vmem_shared>>
      %dma_wait3A_127 = arith.constant 0 : i32
      %dma_wait3A_128 = arith.constant 0 : i32
      %dma_wait3A_129 = tpu.memref_slice %arg7[%run_scoped3A_37, %dma_wait3A_127, %dma_wait3A_128] : memref<3x80x128xf32, #tpu.memory_space<vmem>> -> memref<1x80x128xf32, #tpu.memory_space<vmem>>
      %dma_wait3A_130 = tpu.memref_squeeze %dma_wait3A_129 : memref<1x80x128xf32, #tpu.memory_space<vmem>> -> memref<80x128xf32, #tpu.memory_space<vmem>>
      tpu.wait_dma2 semaphore(%run_scoped3A_106 : memref<!tpu.dma_semaphore, #tpu.memory_space<semaphore_mem>>) src(%dma_wait3A_130 : memref<80x128xf32, #tpu.memory_space<vmem>>) dst(%dma_wait3A_126 : memref<80x128xf32, #tpu.memory_space<vmem_shared>>)
      tpu.yield
    }) : () -> ()
    %mul3A_38 = arith.constant 640 : i32
    %mul3A_39 = arith.muli %arg1, %mul3A_38 : i32
    %add3A_40 = arith.constant 560 : i32
    %add3A_41 = arith.addi %mul3A_39, %add3A_40 : i32
    %run_scoped3A_42 = arith.constant 0 : i32
    "tpu.region"() ({
      %run_scoped3A_106 = tpu.sem_alloc : memref<!tpu.dma_semaphore, #tpu.memory_space<semaphore_mem>>
      %dma_start3A_107 = arith.constant 0 : i32
      %dma_start3A_108 = arith.constant 0 : i32
      %dma_start3A_109 = tpu.memref_slice %arg7[%run_scoped3A_42, %dma_start3A_107, %dma_start3A_108] : memref<3x80x128xf32, #tpu.memory_space<vmem>> -> memref<1x80x128xf32, #tpu.memory_space<vmem>>
      %dma_start3A_110 = tpu.memref_squeeze %dma_start3A_109 : memref<1x80x128xf32, #tpu.memory_space<vmem>> -> memref<80x128xf32, #tpu.memory_space<vmem>>
      %dma_start3A_111 = arith.constant 0 : i32
      %dma_start3A_112 = tpu.memref_slice %arg8[%add3A_41, %dma_start3A_111] : memref<10240x128xf32, #tpu.memory_space<vmem_shared>> -> memref<80x128xf32, #tpu.memory_space<vmem_shared>>
      %dma_start3A_113 = arith.constant 0 : i32
      %dma_start3A_114 = tpu.memref_slice %arg8[%add3A_41, %dma_start3A_113] : memref<10240x128xf32, #tpu.memory_space<vmem_shared>> -> memref<80x128xf32, #tpu.memory_space<vmem_shared>>
      %dma_start3A_115 = arith.constant 0 : i32
      %dma_start3A_116 = arith.constant 0 : i32
      %dma_start3A_117 = tpu.memref_slice %arg7[%run_scoped3A_42, %dma_start3A_115, %dma_start3A_116] : memref<3x80x128xf32, #tpu.memory_space<vmem>> -> memref<1x80x128xf32, #tpu.memory_space<vmem>>
      %dma_start3A_118 = tpu.memref_squeeze %dma_start3A_117 : memref<1x80x128xf32, #tpu.memory_space<vmem>> -> memref<80x128xf32, #tpu.memory_space<vmem>>
      tpu.enqueue_dma source(%dma_start3A_118 : memref<80x128xf32, #tpu.memory_space<vmem>>) target(%dma_start3A_114 : memref<80x128xf32, #tpu.memory_space<vmem_shared>>) target_semaphore(%run_scoped3A_106 : memref<!tpu.dma_semaphore, #tpu.memory_space<semaphore_mem>>)
      %dma_wait3A_119 = arith.constant 0 : i32
      %dma_wait3A_120 = arith.constant 0 : i32
      %dma_wait3A_121 = tpu.memref_slice %arg7[%run_scoped3A_42, %dma_wait3A_119, %dma_wait3A_120] : memref<3x80x128xf32, #tpu.memory_space<vmem>> -> memref<1x80x128xf32, #tpu.memory_space<vmem>>
      %dma_wait3A_122 = tpu.memref_squeeze %dma_wait3A_121 : memref<1x80x128xf32, #tpu.memory_space<vmem>> -> memref<80x128xf32, #tpu.memory_space<vmem>>
      %dma_wait3A_123 = arith.constant 0 : i32
      %dma_wait3A_124 = tpu.memref_slice %arg8[%add3A_41, %dma_wait3A_123] : memref<10240x128xf32, #tpu.memory_space<vmem_shared>> -> memref<80x128xf32, #tpu.memory_space<vmem_shared>>
      %dma_wait3A_125 = arith.constant 0 : i32
      %dma_wait3A_126 = tpu.memref_slice %arg8[%add3A_41, %dma_wait3A_125] : memref<10240x128xf32, #tpu.memory_space<vmem_shared>> -> memref<80x128xf32, #tpu.memory_space<vmem_shared>>
      %dma_wait3A_127 = arith.constant 0 : i32
      %dma_wait3A_128 = arith.constant 0 : i32
      %dma_wait3A_129 = tpu.memref_slice %arg7[%run_scoped3A_42, %dma_wait3A_127, %dma_wait3A_128] : memref<3x80x128xf32, #tpu.memory_space<vmem>> -> memref<1x80x128xf32, #tpu.memory_space<vmem>>
      %dma_wait3A_130 = tpu.memref_squeeze %dma_wait3A_129 : memref<1x80x128xf32, #tpu.memory_space<vmem>> -> memref<80x128xf32, #tpu.memory_space<vmem>>
      tpu.wait_dma2 semaphore(%run_scoped3A_106 : memref<!tpu.dma_semaphore, #tpu.memory_space<semaphore_mem>>) src(%dma_wait3A_130 : memref<80x128xf32, #tpu.memory_space<vmem>>) dst(%dma_wait3A_126 : memref<80x128xf32, #tpu.memory_space<vmem_shared>>)
      tpu.yield
    }) : () -> ()
    %barrier3A = arith.constant 0 : index
    tpu.barrier barrier_id(%barrier3A)
    %run_scoped3A_43 = arith.constant 0 : i32
    %run_scoped3A_44 = arith.constant 0 : i32
    %run_scoped3A_45 = arith.constant 0 : i32
    "tpu.region"() ({
      %run_scoped3A_106 = tpu.sem_alloc : memref<!tpu.dma_semaphore, #tpu.memory_space<semaphore_mem>>
      %dma_start3A_107 = arith.constant 0 : i32
      %dma_start3A_108 = arith.constant 0 : i32
      %dma_start3A_109 = tpu.memref_slice %arg5[%run_scoped3A_45, %dma_start3A_107, %dma_start3A_108] : memref<2x25x80xi32, #tpu.memory_space<vmem>> -> memref<1x25x80xi32, #tpu.memory_space<vmem>>
      %dma_start3A_110 = tpu.memref_squeeze %dma_start3A_109 : memref<1x25x80xi32, #tpu.memory_space<vmem>> -> memref<25x80xi32, #tpu.memory_space<vmem>>
      %dma_start3A_111 = arith.constant 0 : i32
      %dma_start3A_112 = arith.constant 0 : i32
      %dma_start3A_113 = tpu.memref_slice %arg3[%run_scoped3A_43, %arg0, %arg1, %run_scoped3A_44, %dma_start3A_111, %dma_start3A_112] : memref<2x2x16x5x25x80xi32, #tpu.memory_space<hbm>> -> memref<1x1x1x1x25x80xi32, #tpu.memory_space<hbm>>
      %dma_start3A_114 = tpu.memref_squeeze %dma_start3A_113 : memref<1x1x1x1x25x80xi32, #tpu.memory_space<hbm>> -> memref<25x80xi32, #tpu.memory_space<hbm>>
      %dma_start3A_115 = arith.constant 0 : i32
      %dma_start3A_116 = arith.constant 0 : i32
      %dma_start3A_117 = tpu.memref_slice %arg5[%run_scoped3A_45, %dma_start3A_115, %dma_start3A_116] : memref<2x25x80xi32, #tpu.memory_space<vmem>> -> memref<1x25x80xi32, #tpu.memory_space<vmem>>
      %dma_start3A_118 = tpu.memref_squeeze %dma_start3A_117 : memref<1x25x80xi32, #tpu.memory_space<vmem>> -> memref<25x80xi32, #tpu.memory_space<vmem>>
      %dma_start3A_119 = arith.constant 0 : i32
      %dma_start3A_120 = arith.constant 0 : i32
      %dma_start3A_121 = tpu.memref_slice %arg3[%run_scoped3A_43, %arg0, %arg1, %run_scoped3A_44, %dma_start3A_119, %dma_start3A_120] : memref<2x2x16x5x25x80xi32, #tpu.memory_space<hbm>> -> memref<1x1x1x1x25x80xi32, #tpu.memory_space<hbm>>
      %dma_start3A_122 = tpu.memref_squeeze %dma_start3A_121 : memref<1x1x1x1x25x80xi32, #tpu.memory_space<hbm>> -> memref<25x80xi32, #tpu.memory_space<hbm>>
      tpu.enqueue_dma source(%dma_start3A_122 : memref<25x80xi32, #tpu.memory_space<hbm>>) target(%dma_start3A_118 : memref<25x80xi32, #tpu.memory_space<vmem>>) target_semaphore(%run_scoped3A_106 : memref<!tpu.dma_semaphore, #tpu.memory_space<semaphore_mem>>)
      %dma_wait3A_123 = arith.constant 0 : i32
      %dma_wait3A_124 = arith.constant 0 : i32
      %dma_wait3A_125 = tpu.memref_slice %arg5[%run_scoped3A_45, %dma_wait3A_123, %dma_wait3A_124] : memref<2x25x80xi32, #tpu.memory_space<vmem>> -> memref<1x25x80xi32, #tpu.memory_space<vmem>>
      %dma_wait3A_126 = tpu.memref_squeeze %dma_wait3A_125 : memref<1x25x80xi32, #tpu.memory_space<vmem>> -> memref<25x80xi32, #tpu.memory_space<vmem>>
      %dma_wait3A_127 = arith.constant 0 : i32
      %dma_wait3A_128 = arith.constant 0 : i32
      %dma_wait3A_129 = tpu.memref_slice %arg3[%run_scoped3A_43, %arg0, %arg1, %run_scoped3A_44, %dma_wait3A_127, %dma_wait3A_128] : memref<2x2x16x5x25x80xi32, #tpu.memory_space<hbm>> -> memref<1x1x1x1x25x80xi32, #tpu.memory_space<hbm>>
      %dma_wait3A_130 = tpu.memref_squeeze %dma_wait3A_129 : memref<1x1x1x1x25x80xi32, #tpu.memory_space<hbm>> -> memref<25x80xi32, #tpu.memory_space<hbm>>
      %dma_wait3A_131 = arith.constant 0 : i32
      %dma_wait3A_132 = arith.constant 0 : i32
      %dma_wait3A_133 = tpu.memref_slice %arg5[%run_scoped3A_45, %dma_wait3A_131, %dma_wait3A_132] : memref<2x25x80xi32, #tpu.memory_space<vmem>> -> memref<1x25x80xi32, #tpu.memory_space<vmem>>
      %dma_wait3A_134 = tpu.memref_squeeze %dma_wait3A_133 : memref<1x25x80xi32, #tpu.memory_space<vmem>> -> memref<25x80xi32, #tpu.memory_space<vmem>>
      %dma_wait3A_135 = arith.constant 0 : i32
      %dma_wait3A_136 = arith.constant 0 : i32
      %dma_wait3A_137 = tpu.memref_slice %arg3[%run_scoped3A_43, %arg0, %arg1, %run_scoped3A_44, %dma_wait3A_135, %dma_wait3A_136] : memref<2x2x16x5x25x80xi32, #tpu.memory_space<hbm>> -> memref<1x1x1x1x25x80xi32, #tpu.memory_space<hbm>>
      %dma_wait3A_138 = tpu.memref_squeeze %dma_wait3A_137 : memref<1x1x1x1x25x80xi32, #tpu.memory_space<hbm>> -> memref<25x80xi32, #tpu.memory_space<hbm>>
      tpu.wait_dma2 semaphore(%run_scoped3A_106 : memref<!tpu.dma_semaphore, #tpu.memory_space<semaphore_mem>>) src(%dma_wait3A_138 : memref<25x80xi32, #tpu.memory_space<hbm>>) dst(%dma_wait3A_134 : memref<25x80xi32, #tpu.memory_space<vmem>>)
      tpu.yield
    }) : () -> ()
    %run_scoped3A_46 = arith.constant 1 : i32
    %run_scoped3A_47 = arith.constant 0 : i32
    %run_scoped3A_48 = arith.constant 0 : i32
    "tpu.region"() ({
      %run_scoped3A_106 = tpu.sem_alloc : memref<!tpu.dma_semaphore, #tpu.memory_space<semaphore_mem>>
      %dma_start3A_107 = arith.constant 0 : i32
      %dma_start3A_108 = arith.constant 0 : i32
      %dma_start3A_109 = tpu.memref_slice %arg6[%run_scoped3A_48, %dma_start3A_107, %dma_start3A_108] : memref<2x25x80xi32, #tpu.memory_space<vmem>> -> memref<1x25x80xi32, #tpu.memory_space<vmem>>
      %dma_start3A_110 = tpu.memref_squeeze %dma_start3A_109 : memref<1x25x80xi32, #tpu.memory_space<vmem>> -> memref<25x80xi32, #tpu.memory_space<vmem>>
      %dma_start3A_111 = arith.constant 0 : i32
      %dma_start3A_112 = arith.constant 0 : i32
      %dma_start3A_113 = tpu.memref_slice %arg3[%run_scoped3A_46, %arg0, %arg1, %run_scoped3A_47, %dma_start3A_111, %dma_start3A_112] : memref<2x2x16x5x25x80xi32, #tpu.memory_space<hbm>> -> memref<1x1x1x1x25x80xi32, #tpu.memory_space<hbm>>
      %dma_start3A_114 = tpu.memref_squeeze %dma_start3A_113 : memref<1x1x1x1x25x80xi32, #tpu.memory_space<hbm>> -> memref<25x80xi32, #tpu.memory_space<hbm>>
      %dma_start3A_115 = arith.constant 0 : i32
      %dma_start3A_116 = arith.constant 0 : i32
      %dma_start3A_117 = tpu.memref_slice %arg6[%run_scoped3A_48, %dma_start3A_115, %dma_start3A_116] : memref<2x25x80xi32, #tpu.memory_space<vmem>> -> memref<1x25x80xi32, #tpu.memory_space<vmem>>
      %dma_start3A_118 = tpu.memref_squeeze %dma_start3A_117 : memref<1x25x80xi32, #tpu.memory_space<vmem>> -> memref<25x80xi32, #tpu.memory_space<vmem>>
      %dma_start3A_119 = arith.constant 0 : i32
      %dma_start3A_120 = arith.constant 0 : i32
      %dma_start3A_121 = tpu.memref_slice %arg3[%run_scoped3A_46, %arg0, %arg1, %run_scoped3A_47, %dma_start3A_119, %dma_start3A_120] : memref<2x2x16x5x25x80xi32, #tpu.memory_space<hbm>> -> memref<1x1x1x1x25x80xi32, #tpu.memory_space<hbm>>
      %dma_start3A_122 = tpu.memref_squeeze %dma_start3A_121 : memref<1x1x1x1x25x80xi32, #tpu.memory_space<hbm>> -> memref<25x80xi32, #tpu.memory_space<hbm>>
      tpu.enqueue_dma source(%dma_start3A_122 : memref<25x80xi32, #tpu.memory_space<hbm>>) target(%dma_start3A_118 : memref<25x80xi32, #tpu.memory_space<vmem>>) target_semaphore(%run_scoped3A_106 : memref<!tpu.dma_semaphore, #tpu.memory_space<semaphore_mem>>)
      %dma_wait3A_123 = arith.constant 0 : i32
      %dma_wait3A_124 = arith.constant 0 : i32
      %dma_wait3A_125 = tpu.memref_slice %arg6[%run_scoped3A_48, %dma_wait3A_123, %dma_wait3A_124] : memref<2x25x80xi32, #tpu.memory_space<vmem>> -> memref<1x25x80xi32, #tpu.memory_space<vmem>>
      %dma_wait3A_126 = tpu.memref_squeeze %dma_wait3A_125 : memref<1x25x80xi32, #tpu.memory_space<vmem>> -> memref<25x80xi32, #tpu.memory_space<vmem>>
      %dma_wait3A_127 = arith.constant 0 : i32
      %dma_wait3A_128 = arith.constant 0 : i32
      %dma_wait3A_129 = tpu.memref_slice %arg3[%run_scoped3A_46, %arg0, %arg1, %run_scoped3A_47, %dma_wait3A_127, %dma_wait3A_128] : memref<2x2x16x5x25x80xi32, #tpu.memory_space<hbm>> -> memref<1x1x1x1x25x80xi32, #tpu.memory_space<hbm>>
      %dma_wait3A_130 = tpu.memref_squeeze %dma_wait3A_129 : memref<1x1x1x1x25x80xi32, #tpu.memory_space<hbm>> -> memref<25x80xi32, #tpu.memory_space<hbm>>
      %dma_wait3A_131 = arith.constant 0 : i32
      %dma_wait3A_132 = arith.constant 0 : i32
      %dma_wait3A_133 = tpu.memref_slice %arg6[%run_scoped3A_48, %dma_wait3A_131, %dma_wait3A_132] : memref<2x25x80xi32, #tpu.memory_space<vmem>> -> memref<1x25x80xi32, #tpu.memory_space<vmem>>
      %dma_wait3A_134 = tpu.memref_squeeze %dma_wait3A_133 : memref<1x25x80xi32, #tpu.memory_space<vmem>> -> memref<25x80xi32, #tpu.memory_space<vmem>>
      %dma_wait3A_135 = arith.constant 0 : i32
      %dma_wait3A_136 = arith.constant 0 : i32
      %dma_wait3A_137 = tpu.memref_slice %arg3[%run_scoped3A_46, %arg0, %arg1, %run_scoped3A_47, %dma_wait3A_135, %dma_wait3A_136] : memref<2x2x16x5x25x80xi32, #tpu.memory_space<hbm>> -> memref<1x1x1x1x25x80xi32, #tpu.memory_space<hbm>>
      %dma_wait3A_138 = tpu.memref_squeeze %dma_wait3A_137 : memref<1x1x1x1x25x80xi32, #tpu.memory_space<hbm>> -> memref<25x80xi32, #tpu.memory_space<hbm>>
      tpu.wait_dma2 semaphore(%run_scoped3A_106 : memref<!tpu.dma_semaphore, #tpu.memory_space<semaphore_mem>>) src(%dma_wait3A_138 : memref<25x80xi32, #tpu.memory_space<hbm>>) dst(%dma_wait3A_134 : memref<25x80xi32, #tpu.memory_space<vmem>>)
      tpu.yield
    }) : () -> ()
    %dma_start3A = arith.constant 0 : i32
    %dma_start3A_49 = arith.constant 0 : i32
    %dma_start3A_50 = arith.constant 0 : i32
    %dma_start3A_51 = arith.constant 0 : i32
    %dma_start3A_52 = arith.constant 0 : i32
    %dma_start3A_53 = arith.constant 0 : i32
    %dma_start3A_54 = tpu.memref_slice %arg7[%dma_start3A_50, %dma_start3A_52, %dma_start3A_53] : memref<3x80x128xf32, #tpu.memory_space<vmem>> -> memref<1x80x128xf32, #tpu.memory_space<vmem>>
    %dma_start3A_55 = tpu.memref_squeeze %dma_start3A_54 : memref<1x80x128xf32, #tpu.memory_space<vmem>> -> memref<80x128xf32, #tpu.memory_space<vmem>>
    %dma_start3A_56 = arith.constant 0 : i32
    %dma_start3A_57 = tpu.memref_slice %arg5[%dma_start3A, %dma_start3A_49, %dma_start3A_56] : memref<2x25x80xi32, #tpu.memory_space<vmem>> -> memref<1x1x80xi32, #tpu.memory_space<vmem>>
    %dma_start3A_58 = tpu.memref_squeeze %dma_start3A_57 : memref<1x1x80xi32, #tpu.memory_space<vmem>> -> memref<80xi32, #tpu.memory_space<vmem>>
    %dma_start3A_59 = arith.constant 0 : i32
    %dma_start3A_60 = arith.constant 0 : i32
    %dma_start3A_61 = tpu.memref_slice %arg2[%dma_start3A_59, %dma_start3A_60] : memref<10000x128xf32, #tpu.memory_space<hbm>> -> memref<10000x128xf32, #tpu.memory_space<hbm>>
    %dma_start3A_62 = tpu.memref_slice %arg9[%dma_start3A_51] : memref<3x!tpu.dma_semaphore, #tpu.memory_space<semaphore_mem>> -> memref<1x!tpu.dma_semaphore, #tpu.memory_space<semaphore_mem>>
    %dma_start3A_63 = tpu.memref_squeeze %dma_start3A_62 : memref<1x!tpu.dma_semaphore, #tpu.memory_space<semaphore_mem>> -> memref<!tpu.dma_semaphore, #tpu.memory_space<semaphore_mem>>
    tpu.enqueue_indirect_dma source(%dma_start3A_61 : memref<10000x128xf32, #tpu.memory_space<hbm>>) target(%dma_start3A_55 : memref<80x128xf32, #tpu.memory_space<vmem>>) offsets(%dma_start3A_58 : memref<80xi32, #tpu.memory_space<vmem>>) semaphore(%dma_start3A_63 : memref<!tpu.dma_semaphore, #tpu.memory_space<semaphore_mem>>)
    %scan3A_64 = arith.constant 0 : i32
    %scan3A_65 = arith.constant 0 : i32
    %scan3A_66 = arith.constant 125 : i32
    %scan3A_67 = arith.addi %scan3A_65, %scan3A_66 : i32
    %scan3A_68 = arith.constant 1 : i32
    scf.for %scan3A_106 = %scan3A_65 to %scan3A_67 step %scan3A_68  : i32 {
      %div3A = arith.constant 25 : i32
      %div3A_107 = arith.divsi %scan3A_106, %div3A : i32
      %rem3A = arith.constant 25 : i32
      %rem3A_108 = arith.remsi %scan3A_106, %rem3A : i32
      %rem3A_109 = arith.constant 2 : i32
      %rem3A_110 = arith.remsi %div3A_107, %rem3A_109 : i32
      %sub3A = arith.constant 1 : i32
      %sub3A_111 = arith.subi %sub3A, %rem3A_110 : i32
      %rem3A_112 = arith.constant 3 : i32
      %rem3A_113 = arith.remsi %scan3A_106, %rem3A_112 : i32
      %add3A_114 = arith.constant 1 : i32
      %add3A_115 = arith.addi %scan3A_106, %add3A_114 : i32
      %rem3A_116 = arith.constant 3 : i32
      %rem3A_117 = arith.remsi %add3A_115, %rem3A_116 : i32
      %eq3A = arith.constant 0 : i32
      %eq3A_118 = arith.cmpi eq, %rem3A_108, %eq3A : i32
      %add3A_119 = arith.constant 1 : i32
      %add3A_120 = arith.addi %div3A_107, %add3A_119 : i32
      %lt3A = arith.constant 5 : i32
      %lt3A_121 = arith.cmpi slt, %add3A_120, %lt3A : i32
      %and3A = arith.andi %eq3A_118, %lt3A_121 : i1
      %convert_element_type3A = arith.extui %and3A : i1 to i32
      %cond3A = arith.constant 0 : i32
      %cond3A_122 = arith.cmpi ne, %convert_element_type3A, %cond3A : i32
      scf.if %cond3A_122 {
        %add3A_168 = arith.constant 1 : i32
        %add3A_169 = arith.addi %div3A_107, %add3A_168 : i32
        %dma_start3A_170 = arith.constant 0 : i32
        %dma_start3A_171 = arith.constant 0 : i32
        %dma_start3A_172 = arith.constant 0 : i32
        %dma_start3A_173 = tpu.memref_slice %arg5[%sub3A_111, %dma_start3A_171, %dma_start3A_172] : memref<2x25x80xi32, #tpu.memory_space<vmem>> -> memref<1x25x80xi32, #tpu.memory_space<vmem>>
        %dma_start3A_174 = tpu.memref_squeeze %dma_start3A_173 : memref<1x25x80xi32, #tpu.memory_space<vmem>> -> memref<25x80xi32, #tpu.memory_space<vmem>>
        %dma_start3A_175 = arith.constant 0 : i32
        %dma_start3A_176 = arith.constant 0 : i32
        %dma_start3A_177 = tpu.memref_slice %arg3[%dma_start3A_170, %arg0, %arg1, %add3A_169, %dma_start3A_175, %dma_start3A_176] : memref<2x2x16x5x25x80xi32, #tpu.memory_space<hbm>> -> memref<1x1x1x1x25x80xi32, #tpu.memory_space<hbm>>
        %dma_start3A_178 = tpu.memref_squeeze %dma_start3A_177 : memref<1x1x1x1x25x80xi32, #tpu.memory_space<hbm>> -> memref<25x80xi32, #tpu.memory_space<hbm>>
        %dma_start3A_179 = tpu.memref_slice %arg10[%sub3A_111] : memref<2x!tpu.dma_semaphore, #tpu.memory_space<semaphore_mem>> -> memref<1x!tpu.dma_semaphore, #tpu.memory_space<semaphore_mem>>
        %dma_start3A_180 = tpu.memref_squeeze %dma_start3A_179 : memref<1x!tpu.dma_semaphore, #tpu.memory_space<semaphore_mem>> -> memref<!tpu.dma_semaphore, #tpu.memory_space<semaphore_mem>>
        %dma_start3A_181 = arith.constant 0 : i32
        %dma_start3A_182 = arith.constant 0 : i32
        %dma_start3A_183 = tpu.memref_slice %arg5[%sub3A_111, %dma_start3A_181, %dma_start3A_182] : memref<2x25x80xi32, #tpu.memory_space<vmem>> -> memref<1x25x80xi32, #tpu.memory_space<vmem>>
        %dma_start3A_184 = tpu.memref_squeeze %dma_start3A_183 : memref<1x25x80xi32, #tpu.memory_space<vmem>> -> memref<25x80xi32, #tpu.memory_space<vmem>>
        %dma_start3A_185 = arith.constant 0 : i32
        %dma_start3A_186 = arith.constant 0 : i32
        %dma_start3A_187 = tpu.memref_slice %arg3[%dma_start3A_170, %arg0, %arg1, %add3A_169, %dma_start3A_185, %dma_start3A_186] : memref<2x2x16x5x25x80xi32, #tpu.memory_space<hbm>> -> memref<1x1x1x1x25x80xi32, #tpu.memory_space<hbm>>
        %dma_start3A_188 = tpu.memref_squeeze %dma_start3A_187 : memref<1x1x1x1x25x80xi32, #tpu.memory_space<hbm>> -> memref<25x80xi32, #tpu.memory_space<hbm>>
        tpu.enqueue_dma source(%dma_start3A_188 : memref<25x80xi32, #tpu.memory_space<hbm>>) target(%dma_start3A_184 : memref<25x80xi32, #tpu.memory_space<vmem>>) target_semaphore(%dma_start3A_180 : memref<!tpu.dma_semaphore, #tpu.memory_space<semaphore_mem>>)
        %add3A_189 = arith.constant 1 : i32
        %add3A_190 = arith.addi %div3A_107, %add3A_189 : i32
        %dma_start3A_191 = arith.constant 1 : i32
        %dma_start3A_192 = arith.constant 0 : i32
        %dma_start3A_193 = arith.constant 0 : i32
        %dma_start3A_194 = tpu.memref_slice %arg6[%sub3A_111, %dma_start3A_192, %dma_start3A_193] : memref<2x25x80xi32, #tpu.memory_space<vmem>> -> memref<1x25x80xi32, #tpu.memory_space<vmem>>
        %dma_start3A_195 = tpu.memref_squeeze %dma_start3A_194 : memref<1x25x80xi32, #tpu.memory_space<vmem>> -> memref<25x80xi32, #tpu.memory_space<vmem>>
        %dma_start3A_196 = arith.constant 0 : i32
        %dma_start3A_197 = arith.constant 0 : i32
        %dma_start3A_198 = tpu.memref_slice %arg3[%dma_start3A_191, %arg0, %arg1, %add3A_190, %dma_start3A_196, %dma_start3A_197] : memref<2x2x16x5x25x80xi32, #tpu.memory_space<hbm>> -> memref<1x1x1x1x25x80xi32, #tpu.memory_space<hbm>>
        %dma_start3A_199 = tpu.memref_squeeze %dma_start3A_198 : memref<1x1x1x1x25x80xi32, #tpu.memory_space<hbm>> -> memref<25x80xi32, #tpu.memory_space<hbm>>
        %dma_start3A_200 = tpu.memref_slice %arg11[%sub3A_111] : memref<2x!tpu.dma_semaphore, #tpu.memory_space<semaphore_mem>> -> memref<1x!tpu.dma_semaphore, #tpu.memory_space<semaphore_mem>>
        %dma_start3A_201 = tpu.memref_squeeze %dma_start3A_200 : memref<1x!tpu.dma_semaphore, #tpu.memory_space<semaphore_mem>> -> memref<!tpu.dma_semaphore, #tpu.memory_space<semaphore_mem>>
        %dma_start3A_202 = arith.constant 0 : i32
        %dma_start3A_203 = arith.constant 0 : i32
        %dma_start3A_204 = tpu.memref_slice %arg6[%sub3A_111, %dma_start3A_202, %dma_start3A_203] : memref<2x25x80xi32, #tpu.memory_space<vmem>> -> memref<1x25x80xi32, #tpu.memory_space<vmem>>
        %dma_start3A_205 = tpu.memref_squeeze %dma_start3A_204 : memref<1x25x80xi32, #tpu.memory_space<vmem>> -> memref<25x80xi32, #tpu.memory_space<vmem>>
        %dma_start3A_206 = arith.constant 0 : i32
        %dma_start3A_207 = arith.constant 0 : i32
        %dma_start3A_208 = tpu.memref_slice %arg3[%dma_start3A_191, %arg0, %arg1, %add3A_190, %dma_start3A_206, %dma_start3A_207] : memref<2x2x16x5x25x80xi32, #tpu.memory_space<hbm>> -> memref<1x1x1x1x25x80xi32, #tpu.memory_space<hbm>>
        %dma_start3A_209 = tpu.memref_squeeze %dma_start3A_208 : memref<1x1x1x1x25x80xi32, #tpu.memory_space<hbm>> -> memref<25x80xi32, #tpu.memory_space<hbm>>
        tpu.enqueue_dma source(%dma_start3A_209 : memref<25x80xi32, #tpu.memory_space<hbm>>) target(%dma_start3A_205 : memref<25x80xi32, #tpu.memory_space<vmem>>) target_semaphore(%dma_start3A_201 : memref<!tpu.dma_semaphore, #tpu.memory_space<semaphore_mem>>)
      } else {
      }
      %eq3A_123 = arith.constant 24 : i32
      %eq3A_124 = arith.cmpi eq, %rem3A_108, %eq3A_123 : i32
      %add3A_125 = arith.constant 1 : i32
      %add3A_126 = arith.addi %div3A_107, %add3A_125 : i32
      %lt3A_127 = arith.constant 5 : i32
      %lt3A_128 = arith.cmpi slt, %add3A_126, %lt3A_127 : i32
      %and3A_129 = arith.andi %eq3A_124, %lt3A_128 : i1
      %convert_element_type3A_130 = arith.extui %and3A_129 : i1 to i32
      %cond3A_131 = arith.constant 0 : i32
      %cond3A_132 = arith.cmpi ne, %convert_element_type3A_130, %cond3A_131 : i32
      scf.if %cond3A_132 {
        %add3A_168 = arith.constant 1 : i32
        %add3A_169 = arith.addi %div3A_107, %add3A_168 : i32
        %dma_wait3A_170 = arith.constant 0 : i32
        %dma_wait3A_171 = arith.constant 0 : i32
        %dma_wait3A_172 = arith.constant 0 : i32
        %dma_wait3A_173 = tpu.memref_slice %arg5[%sub3A_111, %dma_wait3A_171, %dma_wait3A_172] : memref<2x25x80xi32, #tpu.memory_space<vmem>> -> memref<1x25x80xi32, #tpu.memory_space<vmem>>
        %dma_wait3A_174 = tpu.memref_squeeze %dma_wait3A_173 : memref<1x25x80xi32, #tpu.memory_space<vmem>> -> memref<25x80xi32, #tpu.memory_space<vmem>>
        %dma_wait3A_175 = arith.constant 0 : i32
        %dma_wait3A_176 = arith.constant 0 : i32
        %dma_wait3A_177 = tpu.memref_slice %arg3[%dma_wait3A_170, %arg0, %arg1, %add3A_169, %dma_wait3A_175, %dma_wait3A_176] : memref<2x2x16x5x25x80xi32, #tpu.memory_space<hbm>> -> memref<1x1x1x1x25x80xi32, #tpu.memory_space<hbm>>
        %dma_wait3A_178 = tpu.memref_squeeze %dma_wait3A_177 : memref<1x1x1x1x25x80xi32, #tpu.memory_space<hbm>> -> memref<25x80xi32, #tpu.memory_space<hbm>>
        %dma_wait3A_179 = tpu.memref_slice %arg10[%sub3A_111] : memref<2x!tpu.dma_semaphore, #tpu.memory_space<semaphore_mem>> -> memref<1x!tpu.dma_semaphore, #tpu.memory_space<semaphore_mem>>
        %dma_wait3A_180 = tpu.memref_squeeze %dma_wait3A_179 : memref<1x!tpu.dma_semaphore, #tpu.memory_space<semaphore_mem>> -> memref<!tpu.dma_semaphore, #tpu.memory_space<semaphore_mem>>
        %dma_wait3A_181 = arith.constant 0 : i32
        %dma_wait3A_182 = arith.constant 0 : i32
        %dma_wait3A_183 = tpu.memref_slice %arg5[%sub3A_111, %dma_wait3A_181, %dma_wait3A_182] : memref<2x25x80xi32, #tpu.memory_space<vmem>> -> memref<1x25x80xi32, #tpu.memory_space<vmem>>
        %dma_wait3A_184 = tpu.memref_squeeze %dma_wait3A_183 : memref<1x25x80xi32, #tpu.memory_space<vmem>> -> memref<25x80xi32, #tpu.memory_space<vmem>>
        %dma_wait3A_185 = arith.constant 0 : i32
        %dma_wait3A_186 = arith.constant 0 : i32
        %dma_wait3A_187 = tpu.memref_slice %arg3[%dma_wait3A_170, %arg0, %arg1, %add3A_169, %dma_wait3A_185, %dma_wait3A_186] : memref<2x2x16x5x25x80xi32, #tpu.memory_space<hbm>> -> memref<1x1x1x1x25x80xi32, #tpu.memory_space<hbm>>
        %dma_wait3A_188 = tpu.memref_squeeze %dma_wait3A_187 : memref<1x1x1x1x25x80xi32, #tpu.memory_space<hbm>> -> memref<25x80xi32, #tpu.memory_space<hbm>>
        tpu.wait_dma2 semaphore(%dma_wait3A_180 : memref<!tpu.dma_semaphore, #tpu.memory_space<semaphore_mem>>) src(%dma_wait3A_188 : memref<25x80xi32, #tpu.memory_space<hbm>>) dst(%dma_wait3A_184 : memref<25x80xi32, #tpu.memory_space<vmem>>)
        %add3A_189 = arith.constant 1 : i32
        %add3A_190 = arith.addi %div3A_107, %add3A_189 : i32
        %dma_wait3A_191 = arith.constant 1 : i32
        %dma_wait3A_192 = arith.constant 0 : i32
        %dma_wait3A_193 = arith.constant 0 : i32
        %dma_wait3A_194 = tpu.memref_slice %arg6[%sub3A_111, %dma_wait3A_192, %dma_wait3A_193] : memref<2x25x80xi32, #tpu.memory_space<vmem>> -> memref<1x25x80xi32, #tpu.memory_space<vmem>>
        %dma_wait3A_195 = tpu.memref_squeeze %dma_wait3A_194 : memref<1x25x80xi32, #tpu.memory_space<vmem>> -> memref<25x80xi32, #tpu.memory_space<vmem>>
        %dma_wait3A_196 = arith.constant 0 : i32
        %dma_wait3A_197 = arith.constant 0 : i32
        %dma_wait3A_198 = tpu.memref_slice %arg3[%dma_wait3A_191, %arg0, %arg1, %add3A_190, %dma_wait3A_196, %dma_wait3A_197] : memref<2x2x16x5x25x80xi32, #tpu.memory_space<hbm>> -> memref<1x1x1x1x25x80xi32, #tpu.memory_space<hbm>>
        %dma_wait3A_199 = tpu.memref_squeeze %dma_wait3A_198 : memref<1x1x1x1x25x80xi32, #tpu.memory_space<hbm>> -> memref<25x80xi32, #tpu.memory_space<hbm>>
        %dma_wait3A_200 = tpu.memref_slice %arg11[%sub3A_111] : memref<2x!tpu.dma_semaphore, #tpu.memory_space<semaphore_mem>> -> memref<1x!tpu.dma_semaphore, #tpu.memory_space<semaphore_mem>>
        %dma_wait3A_201 = tpu.memref_squeeze %dma_wait3A_200 : memref<1x!tpu.dma_semaphore, #tpu.memory_space<semaphore_mem>> -> memref<!tpu.dma_semaphore, #tpu.memory_space<semaphore_mem>>
        %dma_wait3A_202 = arith.constant 0 : i32
        %dma_wait3A_203 = arith.constant 0 : i32
        %dma_wait3A_204 = tpu.memref_slice %arg6[%sub3A_111, %dma_wait3A_202, %dma_wait3A_203] : memref<2x25x80xi32, #tpu.memory_space<vmem>> -> memref<1x25x80xi32, #tpu.memory_space<vmem>>
        %dma_wait3A_205 = tpu.memref_squeeze %dma_wait3A_204 : memref<1x25x80xi32, #tpu.memory_space<vmem>> -> memref<25x80xi32, #tpu.memory_space<vmem>>
        %dma_wait3A_206 = arith.constant 0 : i32
        %dma_wait3A_207 = arith.constant 0 : i32
        %dma_wait3A_208 = tpu.memref_slice %arg3[%dma_wait3A_191, %arg0, %arg1, %add3A_190, %dma_wait3A_206, %dma_wait3A_207] : memref<2x2x16x5x25x80xi32, #tpu.memory_space<hbm>> -> memref<1x1x1x1x25x80xi32, #tpu.memory_space<hbm>>
        %dma_wait3A_209 = tpu.memref_squeeze %dma_wait3A_208 : memref<1x1x1x1x25x80xi32, #tpu.memory_space<hbm>> -> memref<25x80xi32, #tpu.memory_space<hbm>>
        tpu.wait_dma2 semaphore(%dma_wait3A_201 : memref<!tpu.dma_semaphore, #tpu.memory_space<semaphore_mem>>) src(%dma_wait3A_209 : memref<25x80xi32, #tpu.memory_space<hbm>>) dst(%dma_wait3A_205 : memref<25x80xi32, #tpu.memory_space<vmem>>)
      } else {
      }
      %ge3A = arith.constant 2 : i32
      %ge3A_133 = arith.cmpi sge, %scan3A_106, %ge3A : i32
      %convert_element_type3A_134 = arith.extui %ge3A_133 : i1 to i32
      %cond3A_135 = arith.constant 0 : i32
      %cond3A_136 = arith.cmpi ne, %convert_element_type3A_134, %cond3A_135 : i32
      scf.if %cond3A_136 {
        %dma_wait3A_168 = arith.constant 0 : i32
        %dma_wait3A_169 = arith.constant 0 : i32
        %dma_wait3A_170 = tpu.memref_slice %arg7[%rem3A_117, %dma_wait3A_168, %dma_wait3A_169] : memref<3x80x128xf32, #tpu.memory_space<vmem>> -> memref<1x80x128xf32, #tpu.memory_space<vmem>>
        %dma_wait3A_171 = tpu.memref_squeeze %dma_wait3A_170 : memref<1x80x128xf32, #tpu.memory_space<vmem>> -> memref<80x128xf32, #tpu.memory_space<vmem>>
        %dma_wait3A_172 = arith.constant 0 : i32
        %dma_wait3A_173 = tpu.memref_slice %arg6[%rem3A_110, %rem3A_108, %dma_wait3A_172] : memref<2x25x80xi32, #tpu.memory_space<vmem>> -> memref<1x1x80xi32, #tpu.memory_space<vmem>>
        %dma_wait3A_174 = tpu.memref_squeeze %dma_wait3A_173 : memref<1x1x80xi32, #tpu.memory_space<vmem>> -> memref<80xi32, #tpu.memory_space<vmem>>
        %dma_wait3A_175 = arith.constant 0 : i32
        %dma_wait3A_176 = arith.constant 0 : i32
        %dma_wait3A_177 = tpu.memref_slice %arg8[%dma_wait3A_175, %dma_wait3A_176] : memref<10240x128xf32, #tpu.memory_space<vmem_shared>> -> memref<10240x128xf32, #tpu.memory_space<vmem_shared>>
        %dma_wait3A_178 = tpu.memref_slice %arg12[%rem3A_117] : memref<3x!tpu.dma_semaphore, #tpu.memory_space<semaphore_mem>> -> memref<1x!tpu.dma_semaphore, #tpu.memory_space<semaphore_mem>>
        %dma_wait3A_179 = tpu.memref_squeeze %dma_wait3A_178 : memref<1x!tpu.dma_semaphore, #tpu.memory_space<semaphore_mem>> -> memref<!tpu.dma_semaphore, #tpu.memory_space<semaphore_mem>>
        tpu.wait_indirect_dma semaphore(%dma_wait3A_179 : memref<!tpu.dma_semaphore, #tpu.memory_space<semaphore_mem>>) src(%dma_wait3A_171 : memref<80x128xf32, #tpu.memory_space<vmem>>) dst(%dma_wait3A_177 : memref<10240x128xf32, #tpu.memory_space<vmem_shared>>)
      } else {
      }
      %add3A_137 = arith.constant 1 : i32
      %add3A_138 = arith.addi %scan3A_106, %add3A_137 : i32
      %lt3A_139 = arith.constant 125 : i32
      %lt3A_140 = arith.cmpi slt, %add3A_138, %lt3A_139 : i32
      %convert_element_type3A_141 = arith.extui %lt3A_140 : i1 to i32
      %cond3A_142 = arith.constant 0 : i32
      %cond3A_143 = arith.cmpi ne, %convert_element_type3A_141, %cond3A_142 : i32
      scf.if %cond3A_143 {
        %add3A_168 = arith.constant 1 : i32
        %add3A_169 = arith.addi %scan3A_106, %add3A_168 : i32
        %div3A_170 = arith.constant 25 : i32
        %div3A_171 = arith.divsi %add3A_169, %div3A_170 : i32
        %add3A_172 = arith.constant 1 : i32
        %add3A_173 = arith.addi %scan3A_106, %add3A_172 : i32
        %rem3A_174 = arith.constant 25 : i32
        %rem3A_175 = arith.remsi %add3A_173, %rem3A_174 : i32
        %rem3A_176 = arith.constant 2 : i32
        %rem3A_177 = arith.remsi %div3A_171, %rem3A_176 : i32
        %dma_start3A_178 = arith.constant 0 : i32
        %dma_start3A_179 = arith.constant 0 : i32
        %dma_start3A_180 = tpu.memref_slice %arg7[%rem3A_117, %dma_start3A_178, %dma_start3A_179] : memref<3x80x128xf32, #tpu.memory_space<vmem>> -> memref<1x80x128xf32, #tpu.memory_space<vmem>>
        %dma_start3A_181 = tpu.memref_squeeze %dma_start3A_180 : memref<1x80x128xf32, #tpu.memory_space<vmem>> -> memref<80x128xf32, #tpu.memory_space<vmem>>
        %dma_start3A_182 = arith.constant 0 : i32
        %dma_start3A_183 = tpu.memref_slice %arg5[%rem3A_177, %rem3A_175, %dma_start3A_182] : memref<2x25x80xi32, #tpu.memory_space<vmem>> -> memref<1x1x80xi32, #tpu.memory_space<vmem>>
        %dma_start3A_184 = tpu.memref_squeeze %dma_start3A_183 : memref<1x1x80xi32, #tpu.memory_space<vmem>> -> memref<80xi32, #tpu.memory_space<vmem>>
        %dma_start3A_185 = arith.constant 0 : i32
        %dma_start3A_186 = arith.constant 0 : i32
        %dma_start3A_187 = tpu.memref_slice %arg2[%dma_start3A_185, %dma_start3A_186] : memref<10000x128xf32, #tpu.memory_space<hbm>> -> memref<10000x128xf32, #tpu.memory_space<hbm>>
        %dma_start3A_188 = tpu.memref_slice %arg9[%rem3A_117] : memref<3x!tpu.dma_semaphore, #tpu.memory_space<semaphore_mem>> -> memref<1x!tpu.dma_semaphore, #tpu.memory_space<semaphore_mem>>
        %dma_start3A_189 = tpu.memref_squeeze %dma_start3A_188 : memref<1x!tpu.dma_semaphore, #tpu.memory_space<semaphore_mem>> -> memref<!tpu.dma_semaphore, #tpu.memory_space<semaphore_mem>>
        tpu.enqueue_indirect_dma source(%dma_start3A_187 : memref<10000x128xf32, #tpu.memory_space<hbm>>) target(%dma_start3A_181 : memref<80x128xf32, #tpu.memory_space<vmem>>) offsets(%dma_start3A_184 : memref<80xi32, #tpu.memory_space<vmem>>) semaphore(%dma_start3A_189 : memref<!tpu.dma_semaphore, #tpu.memory_space<semaphore_mem>>)
      } else {
      }
      %dma_wait3A_144 = arith.constant 0 : i32
      %dma_wait3A_145 = arith.constant 0 : i32
      %dma_wait3A_146 = tpu.memref_slice %arg7[%rem3A_113, %dma_wait3A_144, %dma_wait3A_145] : memref<3x80x128xf32, #tpu.memory_space<vmem>> -> memref<1x80x128xf32, #tpu.memory_space<vmem>>
      %dma_wait3A_147 = tpu.memref_squeeze %dma_wait3A_146 : memref<1x80x128xf32, #tpu.memory_space<vmem>> -> memref<80x128xf32, #tpu.memory_space<vmem>>
      %dma_wait3A_148 = arith.constant 0 : i32
      %dma_wait3A_149 = tpu.memref_slice %arg5[%rem3A_110, %rem3A_108, %dma_wait3A_148] : memref<2x25x80xi32, #tpu.memory_space<vmem>> -> memref<1x1x80xi32, #tpu.memory_space<vmem>>
      %dma_wait3A_150 = tpu.memref_squeeze %dma_wait3A_149 : memref<1x1x80xi32, #tpu.memory_space<vmem>> -> memref<80xi32, #tpu.memory_space<vmem>>
      %dma_wait3A_151 = arith.constant 0 : i32
      %dma_wait3A_152 = arith.constant 0 : i32
      %dma_wait3A_153 = tpu.memref_slice %arg2[%dma_wait3A_151, %dma_wait3A_152] : memref<10000x128xf32, #tpu.memory_space<hbm>> -> memref<10000x128xf32, #tpu.memory_space<hbm>>
      %dma_wait3A_154 = tpu.memref_slice %arg9[%rem3A_113] : memref<3x!tpu.dma_semaphore, #tpu.memory_space<semaphore_mem>> -> memref<1x!tpu.dma_semaphore, #tpu.memory_space<semaphore_mem>>
      %dma_wait3A_155 = tpu.memref_squeeze %dma_wait3A_154 : memref<1x!tpu.dma_semaphore, #tpu.memory_space<semaphore_mem>> -> memref<!tpu.dma_semaphore, #tpu.memory_space<semaphore_mem>>
      tpu.wait_indirect_dma semaphore(%dma_wait3A_155 : memref<!tpu.dma_semaphore, #tpu.memory_space<semaphore_mem>>) src(%dma_wait3A_153 : memref<10000x128xf32, #tpu.memory_space<hbm>>) dst(%dma_wait3A_147 : memref<80x128xf32, #tpu.memory_space<vmem>>)
      %dma_start3A_156 = arith.constant 0 : i32
      %dma_start3A_157 = arith.constant 0 : i32
      %dma_start3A_158 = tpu.memref_slice %arg7[%rem3A_113, %dma_start3A_156, %dma_start3A_157] : memref<3x80x128xf32, #tpu.memory_space<vmem>> -> memref<1x80x128xf32, #tpu.memory_space<vmem>>
      %dma_start3A_159 = tpu.memref_squeeze %dma_start3A_158 : memref<1x80x128xf32, #tpu.memory_space<vmem>> -> memref<80x128xf32, #tpu.memory_space<vmem>>
      %dma_start3A_160 = arith.constant 0 : i32
      %dma_start3A_161 = tpu.memref_slice %arg6[%rem3A_110, %rem3A_108, %dma_start3A_160] : memref<2x25x80xi32, #tpu.memory_space<vmem>> -> memref<1x1x80xi32, #tpu.memory_space<vmem>>
      %dma_start3A_162 = tpu.memref_squeeze %dma_start3A_161 : memref<1x1x80xi32, #tpu.memory_space<vmem>> -> memref<80xi32, #tpu.memory_space<vmem>>
      %dma_start3A_163 = arith.constant 0 : i32
      %dma_start3A_164 = arith.constant 0 : i32
      %dma_start3A_165 = tpu.memref_slice %arg8[%dma_start3A_163, %dma_start3A_164] : memref<10240x128xf32, #tpu.memory_space<vmem_shared>> -> memref<10240x128xf32, #tpu.memory_space<vmem_shared>>
      %dma_start3A_166 = tpu.memref_slice %arg12[%rem3A_113] : memref<3x!tpu.dma_semaphore, #tpu.memory_space<semaphore_mem>> -> memref<1x!tpu.dma_semaphore, #tpu.memory_space<semaphore_mem>>
      %dma_start3A_167 = tpu.memref_squeeze %dma_start3A_166 : memref<1x!tpu.dma_semaphore, #tpu.memory_space<semaphore_mem>> -> memref<!tpu.dma_semaphore, #tpu.memory_space<semaphore_mem>>
      tpu.enqueue_indirect_dma source(%dma_start3A_159 : memref<80x128xf32, #tpu.memory_space<vmem>>) target(%dma_start3A_165 : memref<10240x128xf32, #tpu.memory_space<vmem_shared>>) offsets(%dma_start3A_162 : memref<80xi32, #tpu.memory_space<vmem>>) semaphore(%dma_start3A_167 : memref<!tpu.dma_semaphore, #tpu.memory_space<semaphore_mem>>) {add = true}
    }
    %scan3A_69 = arith.constant 125 : i32
    %dma_wait3A = arith.constant 0 : i32
    %dma_wait3A_70 = arith.constant 0 : i32
    %dma_wait3A_71 = arith.constant 0 : i32
    %dma_wait3A_72 = arith.constant 1 : i32
    %dma_wait3A_73 = arith.constant 0 : i32
    %dma_wait3A_74 = arith.constant 0 : i32
    %dma_wait3A_75 = tpu.memref_slice %arg7[%dma_wait3A, %dma_wait3A_73, %dma_wait3A_74] : memref<3x80x128xf32, #tpu.memory_space<vmem>> -> memref<1x80x128xf32, #tpu.memory_space<vmem>>
    %dma_wait3A_76 = tpu.memref_squeeze %dma_wait3A_75 : memref<1x80x128xf32, #tpu.memory_space<vmem>> -> memref<80x128xf32, #tpu.memory_space<vmem>>
    %dma_wait3A_77 = arith.constant 0 : i32
    %dma_wait3A_78 = tpu.memref_slice %arg6[%dma_wait3A_70, %dma_wait3A_71, %dma_wait3A_77] : memref<2x25x80xi32, #tpu.memory_space<vmem>> -> memref<1x1x80xi32, #tpu.memory_space<vmem>>
    %dma_wait3A_79 = tpu.memref_squeeze %dma_wait3A_78 : memref<1x1x80xi32, #tpu.memory_space<vmem>> -> memref<80xi32, #tpu.memory_space<vmem>>
    %dma_wait3A_80 = arith.constant 0 : i32
    %dma_wait3A_81 = arith.constant 0 : i32
    %dma_wait3A_82 = tpu.memref_slice %arg8[%dma_wait3A_80, %dma_wait3A_81] : memref<10240x128xf32, #tpu.memory_space<vmem_shared>> -> memref<10240x128xf32, #tpu.memory_space<vmem_shared>>
    %dma_wait3A_83 = tpu.memref_slice %arg12[%dma_wait3A_72] : memref<3x!tpu.dma_semaphore, #tpu.memory_space<semaphore_mem>> -> memref<1x!tpu.dma_semaphore, #tpu.memory_space<semaphore_mem>>
    %dma_wait3A_84 = tpu.memref_squeeze %dma_wait3A_83 : memref<1x!tpu.dma_semaphore, #tpu.memory_space<semaphore_mem>> -> memref<!tpu.dma_semaphore, #tpu.memory_space<semaphore_mem>>
    tpu.wait_indirect_dma semaphore(%dma_wait3A_84 : memref<!tpu.dma_semaphore, #tpu.memory_space<semaphore_mem>>) src(%dma_wait3A_76 : memref<80x128xf32, #tpu.memory_space<vmem>>) dst(%dma_wait3A_82 : memref<10240x128xf32, #tpu.memory_space<vmem_shared>>)
    %dma_wait3A_85 = arith.constant 0 : i32
    %dma_wait3A_86 = arith.constant 0 : i32
    %dma_wait3A_87 = arith.constant 0 : i32
    %dma_wait3A_88 = arith.constant 0 : i32
    %dma_wait3A_89 = arith.constant 0 : i32
    %dma_wait3A_90 = arith.constant 0 : i32
    %dma_wait3A_91 = tpu.memref_slice %arg7[%dma_wait3A_85, %dma_wait3A_89, %dma_wait3A_90] : memref<3x80x128xf32, #tpu.memory_space<vmem>> -> memref<1x80x128xf32, #tpu.memory_space<vmem>>
    %dma_wait3A_92 = tpu.memref_squeeze %dma_wait3A_91 : memref<1x80x128xf32, #tpu.memory_space<vmem>> -> memref<80x128xf32, #tpu.memory_space<vmem>>
    %dma_wait3A_93 = arith.constant 0 : i32
    %dma_wait3A_94 = tpu.memref_slice %arg6[%dma_wait3A_86, %dma_wait3A_87, %dma_wait3A_93] : memref<2x25x80xi32, #tpu.memory_space<vmem>> -> memref<1x1x80xi32, #tpu.memory_space<vmem>>
    %dma_wait3A_95 = tpu.memref_squeeze %dma_wait3A_94 : memref<1x1x80xi32, #tpu.memory_space<vmem>> -> memref<80xi32, #tpu.memory_space<vmem>>
    %dma_wait3A_96 = arith.constant 0 : i32
    %dma_wait3A_97 = arith.constant 0 : i32
    %dma_wait3A_98 = tpu.memref_slice %arg8[%dma_wait3A_96, %dma_wait3A_97] : memref<10240x128xf32, #tpu.memory_space<vmem_shared>> -> memref<10240x128xf32, #tpu.memory_space<vmem_shared>>
    %dma_wait3A_99 = tpu.memref_slice %arg12[%dma_wait3A_88] : memref<3x!tpu.dma_semaphore, #tpu.memory_space<semaphore_mem>> -> memref<1x!tpu.dma_semaphore, #tpu.memory_space<semaphore_mem>>
    %dma_wait3A_100 = tpu.memref_squeeze %dma_wait3A_99 : memref<1x!tpu.dma_semaphore, #tpu.memory_space<semaphore_mem>> -> memref<!tpu.dma_semaphore, #tpu.memory_space<semaphore_mem>>
    tpu.wait_indirect_dma semaphore(%dma_wait3A_100 : memref<!tpu.dma_semaphore, #tpu.memory_space<semaphore_mem>>) src(%dma_wait3A_92 : memref<80x128xf32, #tpu.memory_space<vmem>>) dst(%dma_wait3A_98 : memref<10240x128xf32, #tpu.memory_space<vmem_shared>>)
    %barrier3A_101 = arith.constant 0 : index
    tpu.barrier barrier_id(%barrier3A_101)
    %mul3A_102 = arith.constant 640 : i32
    %mul3A_103 = arith.muli %arg1, %mul3A_102 : i32
    %mul3A_104 = arith.constant 640 : i32
    %mul3A_105 = arith.muli %arg1, %mul3A_104 : i32
    "tpu.region"() ({
      %run_scoped3A_106 = tpu.sem_alloc : memref<!tpu.dma_semaphore, #tpu.memory_space<semaphore_mem>>
      %dma_start3A_107 = arith.constant 0 : i32
      %dma_start3A_108 = tpu.memref_slice %arg4[%arg0, %mul3A_105, %dma_start3A_107] : memref<2x10240x128xf32, #tpu.memory_space<hbm>> -> memref<1x640x128xf32, #tpu.memory_space<hbm>>
      %dma_start3A_109 = tpu.memref_squeeze %dma_start3A_108 : memref<1x640x128xf32, #tpu.memory_space<hbm>> -> memref<640x128xf32, #tpu.memory_space<hbm>>
      %dma_start3A_110 = arith.constant 0 : i32
      %dma_start3A_111 = tpu.memref_slice %arg8[%mul3A_103, %dma_start3A_110] : memref<10240x128xf32, #tpu.memory_space<vmem_shared>> -> memref<640x128xf32, #tpu.memory_space<vmem_shared>>
      tpu.enqueue_dma source(%dma_start3A_111 : memref<640x128xf32, #tpu.memory_space<vmem_shared>>) target(%dma_start3A_109 : memref<640x128xf32, #tpu.memory_space<hbm>>) target_semaphore(%run_scoped3A_106 : memref<!tpu.dma_semaphore, #tpu.memory_space<semaphore_mem>>)
      %dma_wait3A_112 = arith.constant 0 : i32
      %dma_wait3A_113 = tpu.memref_slice %arg4[%arg0, %mul3A_105, %dma_wait3A_112] : memref<2x10240x128xf32, #tpu.memory_space<hbm>> -> memref<1x640x128xf32, #tpu.memory_space<hbm>>
      %dma_wait3A_114 = tpu.memref_squeeze %dma_wait3A_113 : memref<1x640x128xf32, #tpu.memory_space<hbm>> -> memref<640x128xf32, #tpu.memory_space<hbm>>
      %dma_wait3A_115 = arith.constant 0 : i32
      %dma_wait3A_116 = tpu.memref_slice %arg8[%mul3A_103, %dma_wait3A_115] : memref<10240x128xf32, #tpu.memory_space<vmem_shared>> -> memref<640x128xf32, #tpu.memory_space<vmem_shared>>
      tpu.wait_dma2 semaphore(%run_scoped3A_106 : memref<!tpu.dma_semaphore, #tpu.memory_space<semaphore_mem>>) src(%dma_wait3A_116 : memref<640x128xf32, #tpu.memory_space<vmem_shared>>) dst(%dma_wait3A_114 : memref<640x128xf32, #tpu.memory_space<hbm>>)
      tpu.yield
    }) : () -> ()
    return
  }
}

#map = affine_map<(d0, d1) -> (0, 0, 0, 0, 0, 0)>
#map1 = affine_map<(d0, d1) -> (0, 0)>
module attributes {stable_mosaic.version = 14 : i64} {
  func.func @_deg_kernel(%arg0: i32, %arg1: i32, %arg2: memref<2x2x16x5x25x80xi32, #tpu.memory_space<hbm>>, %arg3: memref<2x10240xf32, #tpu.memory_space<hbm>>, %arg4: memref<2x25x80xi32, #tpu.memory_space<vmem>>, %arg5: memref<80xf32, #tpu.memory_space<vmem>>, %arg6: memref<640xf32, #tpu.memory_space<vmem>>, %arg7: memref<10240xf32, #tpu.memory_space<vmem_shared>>, %arg8: memref<2x!tpu.dma_semaphore, #tpu.memory_space<semaphore_mem>>, %arg9: memref<2x!tpu.dma_semaphore, #tpu.memory_space<semaphore_mem>>) attributes {dimension_semantics = [#tpu.dimension_semantics<core_parallel>, #tpu.dimension_semantics<subcore_parallel>], iteration_bounds = array<i64: 2, 16>, scalar_prefetch = 0 : i64, scratch_operands = 6 : i64, tpu.core_type = #tpu.core_type<sc_vector_subcore>, window_params = [{transform_indices = #map}, {transform_indices = #map1}]} {
    %broadcast_in_dim3A = arith.constant 1.000000e+00 : f32
    %broadcast_in_dim3A_0 = vector.broadcast %broadcast_in_dim3A : f32 to vector<16xf32>
    %swap3A = arith.constant 0 : index
    %swap3A_1 = tpu.vector_load %arg5[%swap3A] {strides = array<i32>} : memref<80xf32, #tpu.memory_space<vmem>>, vector<16xf32>,
    %swap3A_2 = vector.shape_cast %swap3A_1 : vector<16xf32> to vector<16xf32>
    %swap3A_3 = vector.shape_cast %broadcast_in_dim3A_0 : vector<16xf32> to vector<16xf32>
    tpu.vector_store %arg5[%swap3A], %swap3A_3 {strides = array<i32>} : memref<80xf32, #tpu.memory_space<vmem>>, vector<16xf32>,
    %swap3A_4 = arith.constant 16 : index
    %swap3A_5 = tpu.vector_load %arg5[%swap3A_4] {strides = array<i32>} : memref<80xf32, #tpu.memory_space<vmem>>, vector<16xf32>,
    %swap3A_6 = vector.shape_cast %swap3A_5 : vector<16xf32> to vector<16xf32>
    %swap3A_7 = vector.shape_cast %broadcast_in_dim3A_0 : vector<16xf32> to vector<16xf32>
    tpu.vector_store %arg5[%swap3A_4], %swap3A_7 {strides = array<i32>} : memref<80xf32, #tpu.memory_space<vmem>>, vector<16xf32>,
    %swap3A_8 = arith.constant 32 : index
    %swap3A_9 = tpu.vector_load %arg5[%swap3A_8] {strides = array<i32>} : memref<80xf32, #tpu.memory_space<vmem>>, vector<16xf32>,
    %swap3A_10 = vector.shape_cast %swap3A_9 : vector<16xf32> to vector<16xf32>
    %swap3A_11 = vector.shape_cast %broadcast_in_dim3A_0 : vector<16xf32> to vector<16xf32>
    tpu.vector_store %arg5[%swap3A_8], %swap3A_11 {strides = array<i32>} : memref<80xf32, #tpu.memory_space<vmem>>, vector<16xf32>,
    %swap3A_12 = arith.constant 48 : index
    %swap3A_13 = tpu.vector_load %arg5[%swap3A_12] {strides = array<i32>} : memref<80xf32, #tpu.memory_space<vmem>>, vector<16xf32>,
    %swap3A_14 = vector.shape_cast %swap3A_13 : vector<16xf32> to vector<16xf32>
    %swap3A_15 = vector.shape_cast %broadcast_in_dim3A_0 : vector<16xf32> to vector<16xf32>
    tpu.vector_store %arg5[%swap3A_12], %swap3A_15 {strides = array<i32>} : memref<80xf32, #tpu.memory_space<vmem>>, vector<16xf32>,
    %swap3A_16 = arith.constant 64 : index
    %swap3A_17 = tpu.vector_load %arg5[%swap3A_16] {strides = array<i32>} : memref<80xf32, #tpu.memory_space<vmem>>, vector<16xf32>,
    %swap3A_18 = vector.shape_cast %swap3A_17 : vector<16xf32> to vector<16xf32>
    %swap3A_19 = vector.shape_cast %broadcast_in_dim3A_0 : vector<16xf32> to vector<16xf32>
    tpu.vector_store %arg5[%swap3A_16], %swap3A_19 {strides = array<i32>} : memref<80xf32, #tpu.memory_space<vmem>>, vector<16xf32>,
    %broadcast_in_dim3A_20 = arith.constant 0.000000e+00 : f32
    %broadcast_in_dim3A_21 = vector.broadcast %broadcast_in_dim3A_20 : f32 to vector<16xf32>
    %swap3A_22 = arith.constant 0 : index
    %swap3A_23 = tpu.vector_load %arg6[%swap3A_22] {strides = array<i32>} : memref<640xf32, #tpu.memory_space<vmem>>, vector<16xf32>,
    %swap3A_24 = vector.shape_cast %swap3A_23 : vector<16xf32> to vector<16xf32>
    %swap3A_25 = vector.shape_cast %broadcast_in_dim3A_21 : vector<16xf32> to vector<16xf32>
    tpu.vector_store %arg6[%swap3A_22], %swap3A_25 {strides = array<i32>} : memref<640xf32, #tpu.memory_space<vmem>>, vector<16xf32>,
    %swap3A_26 = arith.constant 16 : index
    %swap3A_27 = tpu.vector_load %arg6[%swap3A_26] {strides = array<i32>} : memref<640xf32, #tpu.memory_space<vmem>>, vector<16xf32>,
    %swap3A_28 = vector.shape_cast %swap3A_27 : vector<16xf32> to vector<16xf32>
    %swap3A_29 = vector.shape_cast %broadcast_in_dim3A_21 : vector<16xf32> to vector<16xf32>
    tpu.vector_store %arg6[%swap3A_26], %swap3A_29 {strides = array<i32>} : memref<640xf32, #tpu.memory_space<vmem>>, vector<16xf32>,
    %swap3A_30 = arith.constant 32 : index
    %swap3A_31 = tpu.vector_load %arg6[%swap3A_30] {strides = array<i32>} : memref<640xf32, #tpu.memory_space<vmem>>, vector<16xf32>,
    %swap3A_32 = vector.shape_cast %swap3A_31 : vector<16xf32> to vector<16xf32>
    %swap3A_33 = vector.shape_cast %broadcast_in_dim3A_21 : vector<16xf32> to vector<16xf32>
    tpu.vector_store %arg6[%swap3A_30], %swap3A_33 {strides = array<i32>} : memref<640xf32, #tpu.memory_space<vmem>>, vector<16xf32>,
    %swap3A_34 = arith.constant 48 : index
    %swap3A_35 = tpu.vector_load %arg6[%swap3A_34] {strides = array<i32>} : memref<640xf32, #tpu.memory_space<vmem>>, vector<16xf32>,
    %swap3A_36 = vector.shape_cast %swap3A_35 : vector<16xf32> to vector<16xf32>
    %swap3A_37 = vector.shape_cast %broadcast_in_dim3A_21 : vector<16xf32> to vector<16xf32>
    tpu.vector_store %arg6[%swap3A_34], %swap3A_37 {strides = array<i32>} : memref<640xf32, #tpu.memory_space<vmem>>, vector<16xf32>,
    %swap3A_38 = arith.constant 64 : index
    %swap3A_39 = tpu.vector_load %arg6[%swap3A_38] {strides = array<i32>} : memref<640xf32, #tpu.memory_space<vmem>>, vector<16xf32>,
    %swap3A_40 = vector.shape_cast %swap3A_39 : vector<16xf32> to vector<16xf32>
    %swap3A_41 = vector.shape_cast %broadcast_in_dim3A_21 : vector<16xf32> to vector<16xf32>
    tpu.vector_store %arg6[%swap3A_38], %swap3A_41 {strides = array<i32>} : memref<640xf32, #tpu.memory_space<vmem>>, vector<16xf32>,
    %swap3A_42 = arith.constant 80 : index
    %swap3A_43 = tpu.vector_load %arg6[%swap3A_42] {strides = array<i32>} : memref<640xf32, #tpu.memory_space<vmem>>, vector<16xf32>,
    %swap3A_44 = vector.shape_cast %swap3A_43 : vector<16xf32> to vector<16xf32>
    %swap3A_45 = vector.shape_cast %broadcast_in_dim3A_21 : vector<16xf32> to vector<16xf32>
    tpu.vector_store %arg6[%swap3A_42], %swap3A_45 {strides = array<i32>} : memref<640xf32, #tpu.memory_space<vmem>>, vector<16xf32>,
    %swap3A_46 = arith.constant 96 : index
    %swap3A_47 = tpu.vector_load %arg6[%swap3A_46] {strides = array<i32>} : memref<640xf32, #tpu.memory_space<vmem>>, vector<16xf32>,
    %swap3A_48 = vector.shape_cast %swap3A_47 : vector<16xf32> to vector<16xf32>
    %swap3A_49 = vector.shape_cast %broadcast_in_dim3A_21 : vector<16xf32> to vector<16xf32>
    tpu.vector_store %arg6[%swap3A_46], %swap3A_49 {strides = array<i32>} : memref<640xf32, #tpu.memory_space<vmem>>, vector<16xf32>,
    %swap3A_50 = arith.constant 112 : index
    %swap3A_51 = tpu.vector_load %arg6[%swap3A_50] {strides = array<i32>} : memref<640xf32, #tpu.memory_space<vmem>>, vector<16xf32>,
    %swap3A_52 = vector.shape_cast %swap3A_51 : vector<16xf32> to vector<16xf32>
    %swap3A_53 = vector.shape_cast %broadcast_in_dim3A_21 : vector<16xf32> to vector<16xf32>
    tpu.vector_store %arg6[%swap3A_50], %swap3A_53 {strides = array<i32>} : memref<640xf32, #tpu.memory_space<vmem>>, vector<16xf32>,
    %swap3A_54 = arith.constant 128 : index
    %swap3A_55 = tpu.vector_load %arg6[%swap3A_54] {strides = array<i32>} : memref<640xf32, #tpu.memory_space<vmem>>, vector<16xf32>,
    %swap3A_56 = vector.shape_cast %swap3A_55 : vector<16xf32> to vector<16xf32>
    %swap3A_57 = vector.shape_cast %broadcast_in_dim3A_21 : vector<16xf32> to vector<16xf32>
    tpu.vector_store %arg6[%swap3A_54], %swap3A_57 {strides = array<i32>} : memref<640xf32, #tpu.memory_space<vmem>>, vector<16xf32>,
    %swap3A_58 = arith.constant 144 : index
    %swap3A_59 = tpu.vector_load %arg6[%swap3A_58] {strides = array<i32>} : memref<640xf32, #tpu.memory_space<vmem>>, vector<16xf32>,
    %swap3A_60 = vector.shape_cast %swap3A_59 : vector<16xf32> to vector<16xf32>
    %swap3A_61 = vector.shape_cast %broadcast_in_dim3A_21 : vector<16xf32> to vector<16xf32>
    tpu.vector_store %arg6[%swap3A_58], %swap3A_61 {strides = array<i32>} : memref<640xf32, #tpu.memory_space<vmem>>, vector<16xf32>,
    %swap3A_62 = arith.constant 160 : index
    %swap3A_63 = tpu.vector_load %arg6[%swap3A_62] {strides = array<i32>} : memref<640xf32, #tpu.memory_space<vmem>>, vector<16xf32>,
    %swap3A_64 = vector.shape_cast %swap3A_63 : vector<16xf32> to vector<16xf32>
    %swap3A_65 = vector.shape_cast %broadcast_in_dim3A_21 : vector<16xf32> to vector<16xf32>
    tpu.vector_store %arg6[%swap3A_62], %swap3A_65 {strides = array<i32>} : memref<640xf32, #tpu.memory_space<vmem>>, vector<16xf32>,
    %swap3A_66 = arith.constant 176 : index
    %swap3A_67 = tpu.vector_load %arg6[%swap3A_66] {strides = array<i32>} : memref<640xf32, #tpu.memory_space<vmem>>, vector<16xf32>,
    %swap3A_68 = vector.shape_cast %swap3A_67 : vector<16xf32> to vector<16xf32>
    %swap3A_69 = vector.shape_cast %broadcast_in_dim3A_21 : vector<16xf32> to vector<16xf32>
    tpu.vector_store %arg6[%swap3A_66], %swap3A_69 {strides = array<i32>} : memref<640xf32, #tpu.memory_space<vmem>>, vector<16xf32>,
    %swap3A_70 = arith.constant 192 : index
    %swap3A_71 = tpu.vector_load %arg6[%swap3A_70] {strides = array<i32>} : memref<640xf32, #tpu.memory_space<vmem>>, vector<16xf32>,
    %swap3A_72 = vector.shape_cast %swap3A_71 : vector<16xf32> to vector<16xf32>
    %swap3A_73 = vector.shape_cast %broadcast_in_dim3A_21 : vector<16xf32> to vector<16xf32>
    tpu.vector_store %arg6[%swap3A_70], %swap3A_73 {strides = array<i32>} : memref<640xf32, #tpu.memory_space<vmem>>, vector<16xf32>,
    %swap3A_74 = arith.constant 208 : index
    %swap3A_75 = tpu.vector_load %arg6[%swap3A_74] {strides = array<i32>} : memref<640xf32, #tpu.memory_space<vmem>>, vector<16xf32>,
    %swap3A_76 = vector.shape_cast %swap3A_75 : vector<16xf32> to vector<16xf32>
    %swap3A_77 = vector.shape_cast %broadcast_in_dim3A_21 : vector<16xf32> to vector<16xf32>
    tpu.vector_store %arg6[%swap3A_74], %swap3A_77 {strides = array<i32>} : memref<640xf32, #tpu.memory_space<vmem>>, vector<16xf32>,
    %swap3A_78 = arith.constant 224 : index
    %swap3A_79 = tpu.vector_load %arg6[%swap3A_78] {strides = array<i32>} : memref<640xf32, #tpu.memory_space<vmem>>, vector<16xf32>,
    %swap3A_80 = vector.shape_cast %swap3A_79 : vector<16xf32> to vector<16xf32>
    %swap3A_81 = vector.shape_cast %broadcast_in_dim3A_21 : vector<16xf32> to vector<16xf32>
    tpu.vector_store %arg6[%swap3A_78], %swap3A_81 {strides = array<i32>} : memref<640xf32, #tpu.memory_space<vmem>>, vector<16xf32>,
    %swap3A_82 = arith.constant 240 : index
    %swap3A_83 = tpu.vector_load %arg6[%swap3A_82] {strides = array<i32>} : memref<640xf32, #tpu.memory_space<vmem>>, vector<16xf32>,
    %swap3A_84 = vector.shape_cast %swap3A_83 : vector<16xf32> to vector<16xf32>
    %swap3A_85 = vector.shape_cast %broadcast_in_dim3A_21 : vector<16xf32> to vector<16xf32>
    tpu.vector_store %arg6[%swap3A_82], %swap3A_85 {strides = array<i32>} : memref<640xf32, #tpu.memory_space<vmem>>, vector<16xf32>,
    %swap3A_86 = arith.constant 256 : index
    %swap3A_87 = tpu.vector_load %arg6[%swap3A_86] {strides = array<i32>} : memref<640xf32, #tpu.memory_space<vmem>>, vector<16xf32>,
    %swap3A_88 = vector.shape_cast %swap3A_87 : vector<16xf32> to vector<16xf32>
    %swap3A_89 = vector.shape_cast %broadcast_in_dim3A_21 : vector<16xf32> to vector<16xf32>
    tpu.vector_store %arg6[%swap3A_86], %swap3A_89 {strides = array<i32>} : memref<640xf32, #tpu.memory_space<vmem>>, vector<16xf32>,
    %swap3A_90 = arith.constant 272 : index
    %swap3A_91 = tpu.vector_load %arg6[%swap3A_90] {strides = array<i32>} : memref<640xf32, #tpu.memory_space<vmem>>, vector<16xf32>,
    %swap3A_92 = vector.shape_cast %swap3A_91 : vector<16xf32> to vector<16xf32>
    %swap3A_93 = vector.shape_cast %broadcast_in_dim3A_21 : vector<16xf32> to vector<16xf32>
    tpu.vector_store %arg6[%swap3A_90], %swap3A_93 {strides = array<i32>} : memref<640xf32, #tpu.memory_space<vmem>>, vector<16xf32>,
    %swap3A_94 = arith.constant 288 : index
    %swap3A_95 = tpu.vector_load %arg6[%swap3A_94] {strides = array<i32>} : memref<640xf32, #tpu.memory_space<vmem>>, vector<16xf32>,
    %swap3A_96 = vector.shape_cast %swap3A_95 : vector<16xf32> to vector<16xf32>
    %swap3A_97 = vector.shape_cast %broadcast_in_dim3A_21 : vector<16xf32> to vector<16xf32>
    tpu.vector_store %arg6[%swap3A_94], %swap3A_97 {strides = array<i32>} : memref<640xf32, #tpu.memory_space<vmem>>, vector<16xf32>,
    %swap3A_98 = arith.constant 304 : index
    %swap3A_99 = tpu.vector_load %arg6[%swap3A_98] {strides = array<i32>} : memref<640xf32, #tpu.memory_space<vmem>>, vector<16xf32>,
    %swap3A_100 = vector.shape_cast %swap3A_99 : vector<16xf32> to vector<16xf32>
    %swap3A_101 = vector.shape_cast %broadcast_in_dim3A_21 : vector<16xf32> to vector<16xf32>
    tpu.vector_store %arg6[%swap3A_98], %swap3A_101 {strides = array<i32>} : memref<640xf32, #tpu.memory_space<vmem>>, vector<16xf32>,
    %swap3A_102 = arith.constant 320 : index
    %swap3A_103 = tpu.vector_load %arg6[%swap3A_102] {strides = array<i32>} : memref<640xf32, #tpu.memory_space<vmem>>, vector<16xf32>,
    %swap3A_104 = vector.shape_cast %swap3A_103 : vector<16xf32> to vector<16xf32>
    %swap3A_105 = vector.shape_cast %broadcast_in_dim3A_21 : vector<16xf32> to vector<16xf32>
    tpu.vector_store %arg6[%swap3A_102], %swap3A_105 {strides = array<i32>} : memref<640xf32, #tpu.memory_space<vmem>>, vector<16xf32>,
    %swap3A_106 = arith.constant 336 : index
    %swap3A_107 = tpu.vector_load %arg6[%swap3A_106] {strides = array<i32>} : memref<640xf32, #tpu.memory_space<vmem>>, vector<16xf32>,
    %swap3A_108 = vector.shape_cast %swap3A_107 : vector<16xf32> to vector<16xf32>
    %swap3A_109 = vector.shape_cast %broadcast_in_dim3A_21 : vector<16xf32> to vector<16xf32>
    tpu.vector_store %arg6[%swap3A_106], %swap3A_109 {strides = array<i32>} : memref<640xf32, #tpu.memory_space<vmem>>, vector<16xf32>,
    %swap3A_110 = arith.constant 352 : index
    %swap3A_111 = tpu.vector_load %arg6[%swap3A_110] {strides = array<i32>} : memref<640xf32, #tpu.memory_space<vmem>>, vector<16xf32>,
    %swap3A_112 = vector.shape_cast %swap3A_111 : vector<16xf32> to vector<16xf32>
    %swap3A_113 = vector.shape_cast %broadcast_in_dim3A_21 : vector<16xf32> to vector<16xf32>
    tpu.vector_store %arg6[%swap3A_110], %swap3A_113 {strides = array<i32>} : memref<640xf32, #tpu.memory_space<vmem>>, vector<16xf32>,
    %swap3A_114 = arith.constant 368 : index
    %swap3A_115 = tpu.vector_load %arg6[%swap3A_114] {strides = array<i32>} : memref<640xf32, #tpu.memory_space<vmem>>, vector<16xf32>,
    %swap3A_116 = vector.shape_cast %swap3A_115 : vector<16xf32> to vector<16xf32>
    %swap3A_117 = vector.shape_cast %broadcast_in_dim3A_21 : vector<16xf32> to vector<16xf32>
    tpu.vector_store %arg6[%swap3A_114], %swap3A_117 {strides = array<i32>} : memref<640xf32, #tpu.memory_space<vmem>>, vector<16xf32>,
    %swap3A_118 = arith.constant 384 : index
    %swap3A_119 = tpu.vector_load %arg6[%swap3A_118] {strides = array<i32>} : memref<640xf32, #tpu.memory_space<vmem>>, vector<16xf32>,
    %swap3A_120 = vector.shape_cast %swap3A_119 : vector<16xf32> to vector<16xf32>
    %swap3A_121 = vector.shape_cast %broadcast_in_dim3A_21 : vector<16xf32> to vector<16xf32>
    tpu.vector_store %arg6[%swap3A_118], %swap3A_121 {strides = array<i32>} : memref<640xf32, #tpu.memory_space<vmem>>, vector<16xf32>,
    %swap3A_122 = arith.constant 400 : index
    %swap3A_123 = tpu.vector_load %arg6[%swap3A_122] {strides = array<i32>} : memref<640xf32, #tpu.memory_space<vmem>>, vector<16xf32>,
    %swap3A_124 = vector.shape_cast %swap3A_123 : vector<16xf32> to vector<16xf32>
    %swap3A_125 = vector.shape_cast %broadcast_in_dim3A_21 : vector<16xf32> to vector<16xf32>
    tpu.vector_store %arg6[%swap3A_122], %swap3A_125 {strides = array<i32>} : memref<640xf32, #tpu.memory_space<vmem>>, vector<16xf32>,
    %swap3A_126 = arith.constant 416 : index
    %swap3A_127 = tpu.vector_load %arg6[%swap3A_126] {strides = array<i32>} : memref<640xf32, #tpu.memory_space<vmem>>, vector<16xf32>,
    %swap3A_128 = vector.shape_cast %swap3A_127 : vector<16xf32> to vector<16xf32>
    %swap3A_129 = vector.shape_cast %broadcast_in_dim3A_21 : vector<16xf32> to vector<16xf32>
    tpu.vector_store %arg6[%swap3A_126], %swap3A_129 {strides = array<i32>} : memref<640xf32, #tpu.memory_space<vmem>>, vector<16xf32>,
    %swap3A_130 = arith.constant 432 : index
    %swap3A_131 = tpu.vector_load %arg6[%swap3A_130] {strides = array<i32>} : memref<640xf32, #tpu.memory_space<vmem>>, vector<16xf32>,
    %swap3A_132 = vector.shape_cast %swap3A_131 : vector<16xf32> to vector<16xf32>
    %swap3A_133 = vector.shape_cast %broadcast_in_dim3A_21 : vector<16xf32> to vector<16xf32>
    tpu.vector_store %arg6[%swap3A_130], %swap3A_133 {strides = array<i32>} : memref<640xf32, #tpu.memory_space<vmem>>, vector<16xf32>,
    %swap3A_134 = arith.constant 448 : index
    %swap3A_135 = tpu.vector_load %arg6[%swap3A_134] {strides = array<i32>} : memref<640xf32, #tpu.memory_space<vmem>>, vector<16xf32>,
    %swap3A_136 = vector.shape_cast %swap3A_135 : vector<16xf32> to vector<16xf32>
    %swap3A_137 = vector.shape_cast %broadcast_in_dim3A_21 : vector<16xf32> to vector<16xf32>
    tpu.vector_store %arg6[%swap3A_134], %swap3A_137 {strides = array<i32>} : memref<640xf32, #tpu.memory_space<vmem>>, vector<16xf32>,
    %swap3A_138 = arith.constant 464 : index
    %swap3A_139 = tpu.vector_load %arg6[%swap3A_138] {strides = array<i32>} : memref<640xf32, #tpu.memory_space<vmem>>, vector<16xf32>,
    %swap3A_140 = vector.shape_cast %swap3A_139 : vector<16xf32> to vector<16xf32>
    %swap3A_141 = vector.shape_cast %broadcast_in_dim3A_21 : vector<16xf32> to vector<16xf32>
    tpu.vector_store %arg6[%swap3A_138], %swap3A_141 {strides = array<i32>} : memref<640xf32, #tpu.memory_space<vmem>>, vector<16xf32>,
    %swap3A_142 = arith.constant 480 : index
    %swap3A_143 = tpu.vector_load %arg6[%swap3A_142] {strides = array<i32>} : memref<640xf32, #tpu.memory_space<vmem>>, vector<16xf32>,
    %swap3A_144 = vector.shape_cast %swap3A_143 : vector<16xf32> to vector<16xf32>
    %swap3A_145 = vector.shape_cast %broadcast_in_dim3A_21 : vector<16xf32> to vector<16xf32>
    tpu.vector_store %arg6[%swap3A_142], %swap3A_145 {strides = array<i32>} : memref<640xf32, #tpu.memory_space<vmem>>, vector<16xf32>,
    %swap3A_146 = arith.constant 496 : index
    %swap3A_147 = tpu.vector_load %arg6[%swap3A_146] {strides = array<i32>} : memref<640xf32, #tpu.memory_space<vmem>>, vector<16xf32>,
    %swap3A_148 = vector.shape_cast %swap3A_147 : vector<16xf32> to vector<16xf32>
    %swap3A_149 = vector.shape_cast %broadcast_in_dim3A_21 : vector<16xf32> to vector<16xf32>
    tpu.vector_store %arg6[%swap3A_146], %swap3A_149 {strides = array<i32>} : memref<640xf32, #tpu.memory_space<vmem>>, vector<16xf32>,
    %swap3A_150 = arith.constant 512 : index
    %swap3A_151 = tpu.vector_load %arg6[%swap3A_150] {strides = array<i32>} : memref<640xf32, #tpu.memory_space<vmem>>, vector<16xf32>,
    %swap3A_152 = vector.shape_cast %swap3A_151 : vector<16xf32> to vector<16xf32>
    %swap3A_153 = vector.shape_cast %broadcast_in_dim3A_21 : vector<16xf32> to vector<16xf32>
    tpu.vector_store %arg6[%swap3A_150], %swap3A_153 {strides = array<i32>} : memref<640xf32, #tpu.memory_space<vmem>>, vector<16xf32>,
    %swap3A_154 = arith.constant 528 : index
    %swap3A_155 = tpu.vector_load %arg6[%swap3A_154] {strides = array<i32>} : memref<640xf32, #tpu.memory_space<vmem>>, vector<16xf32>,
    %swap3A_156 = vector.shape_cast %swap3A_155 : vector<16xf32> to vector<16xf32>
    %swap3A_157 = vector.shape_cast %broadcast_in_dim3A_21 : vector<16xf32> to vector<16xf32>
    tpu.vector_store %arg6[%swap3A_154], %swap3A_157 {strides = array<i32>} : memref<640xf32, #tpu.memory_space<vmem>>, vector<16xf32>,
    %swap3A_158 = arith.constant 544 : index
    %swap3A_159 = tpu.vector_load %arg6[%swap3A_158] {strides = array<i32>} : memref<640xf32, #tpu.memory_space<vmem>>, vector<16xf32>,
    %swap3A_160 = vector.shape_cast %swap3A_159 : vector<16xf32> to vector<16xf32>
    %swap3A_161 = vector.shape_cast %broadcast_in_dim3A_21 : vector<16xf32> to vector<16xf32>
    tpu.vector_store %arg6[%swap3A_158], %swap3A_161 {strides = array<i32>} : memref<640xf32, #tpu.memory_space<vmem>>, vector<16xf32>,
    %swap3A_162 = arith.constant 560 : index
    %swap3A_163 = tpu.vector_load %arg6[%swap3A_162] {strides = array<i32>} : memref<640xf32, #tpu.memory_space<vmem>>, vector<16xf32>,
    %swap3A_164 = vector.shape_cast %swap3A_163 : vector<16xf32> to vector<16xf32>
    %swap3A_165 = vector.shape_cast %broadcast_in_dim3A_21 : vector<16xf32> to vector<16xf32>
    tpu.vector_store %arg6[%swap3A_162], %swap3A_165 {strides = array<i32>} : memref<640xf32, #tpu.memory_space<vmem>>, vector<16xf32>,
    %swap3A_166 = arith.constant 576 : index
    %swap3A_167 = tpu.vector_load %arg6[%swap3A_166] {strides = array<i32>} : memref<640xf32, #tpu.memory_space<vmem>>, vector<16xf32>,
    %swap3A_168 = vector.shape_cast %swap3A_167 : vector<16xf32> to vector<16xf32>
    %swap3A_169 = vector.shape_cast %broadcast_in_dim3A_21 : vector<16xf32> to vector<16xf32>
    tpu.vector_store %arg6[%swap3A_166], %swap3A_169 {strides = array<i32>} : memref<640xf32, #tpu.memory_space<vmem>>, vector<16xf32>,
    %swap3A_170 = arith.constant 592 : index
    %swap3A_171 = tpu.vector_load %arg6[%swap3A_170] {strides = array<i32>} : memref<640xf32, #tpu.memory_space<vmem>>, vector<16xf32>,
    %swap3A_172 = vector.shape_cast %swap3A_171 : vector<16xf32> to vector<16xf32>
    %swap3A_173 = vector.shape_cast %broadcast_in_dim3A_21 : vector<16xf32> to vector<16xf32>
    tpu.vector_store %arg6[%swap3A_170], %swap3A_173 {strides = array<i32>} : memref<640xf32, #tpu.memory_space<vmem>>, vector<16xf32>,
    %swap3A_174 = arith.constant 608 : index
    %swap3A_175 = tpu.vector_load %arg6[%swap3A_174] {strides = array<i32>} : memref<640xf32, #tpu.memory_space<vmem>>, vector<16xf32>,
    %swap3A_176 = vector.shape_cast %swap3A_175 : vector<16xf32> to vector<16xf32>
    %swap3A_177 = vector.shape_cast %broadcast_in_dim3A_21 : vector<16xf32> to vector<16xf32>
    tpu.vector_store %arg6[%swap3A_174], %swap3A_177 {strides = array<i32>} : memref<640xf32, #tpu.memory_space<vmem>>, vector<16xf32>,
    %swap3A_178 = arith.constant 624 : index
    %swap3A_179 = tpu.vector_load %arg6[%swap3A_178] {strides = array<i32>} : memref<640xf32, #tpu.memory_space<vmem>>, vector<16xf32>,
    %swap3A_180 = vector.shape_cast %swap3A_179 : vector<16xf32> to vector<16xf32>
    %swap3A_181 = vector.shape_cast %broadcast_in_dim3A_21 : vector<16xf32> to vector<16xf32>
    tpu.vector_store %arg6[%swap3A_178], %swap3A_181 {strides = array<i32>} : memref<640xf32, #tpu.memory_space<vmem>>, vector<16xf32>,
    %mul3A = arith.constant 640 : i32
    %mul3A_182 = arith.muli %arg1, %mul3A : i32
    "tpu.region"() ({
      %run_scoped3A_214 = tpu.sem_alloc : memref<!tpu.dma_semaphore, #tpu.memory_space<semaphore_mem>>
      %dma_start3A = tpu.memref_slice %arg7[%mul3A_182] : memref<10240xf32, #tpu.memory_space<vmem_shared>> -> memref<640xf32, #tpu.memory_space<vmem_shared>>
      %dma_start3A_215 = tpu.memref_slice %arg7[%mul3A_182] : memref<10240xf32, #tpu.memory_space<vmem_shared>> -> memref<640xf32, #tpu.memory_space<vmem_shared>>
      tpu.enqueue_dma source(%arg6 : memref<640xf32, #tpu.memory_space<vmem>>) target(%dma_start3A_215 : memref<640xf32, #tpu.memory_space<vmem_shared>>) target_semaphore(%run_scoped3A_214 : memref<!tpu.dma_semaphore, #tpu.memory_space<semaphore_mem>>)
      %dma_wait3A_216 = tpu.memref_slice %arg7[%mul3A_182] : memref<10240xf32, #tpu.memory_space<vmem_shared>> -> memref<640xf32, #tpu.memory_space<vmem_shared>>
      %dma_wait3A_217 = tpu.memref_slice %arg7[%mul3A_182] : memref<10240xf32, #tpu.memory_space<vmem_shared>> -> memref<640xf32, #tpu.memory_space<vmem_shared>>
      tpu.wait_dma2 semaphore(%run_scoped3A_214 : memref<!tpu.dma_semaphore, #tpu.memory_space<semaphore_mem>>) src(%arg6 : memref<640xf32, #tpu.memory_space<vmem>>) dst(%dma_wait3A_217 : memref<640xf32, #tpu.memory_space<vmem_shared>>)
      tpu.yield
    }) : () -> ()
    %barrier3A = arith.constant 0 : index
    tpu.barrier barrier_id(%barrier3A)
    %run_scoped3A = arith.constant 1 : i32
    %run_scoped3A_183 = arith.constant 0 : i32
    %run_scoped3A_184 = arith.constant 0 : i32
    "tpu.region"() ({
      %run_scoped3A_214 = tpu.sem_alloc : memref<!tpu.dma_semaphore, #tpu.memory_space<semaphore_mem>>
      %dma_start3A = arith.constant 0 : i32
      %dma_start3A_215 = arith.constant 0 : i32
      %dma_start3A_216 = tpu.memref_slice %arg4[%run_scoped3A_184, %dma_start3A, %dma_start3A_215] : memref<2x25x80xi32, #tpu.memory_space<vmem>> -> memref<1x25x80xi32, #tpu.memory_space<vmem>>
      %dma_start3A_217 = tpu.memref_squeeze %dma_start3A_216 : memref<1x25x80xi32, #tpu.memory_space<vmem>> -> memref<25x80xi32, #tpu.memory_space<vmem>>
      %dma_start3A_218 = arith.constant 0 : i32
      %dma_start3A_219 = arith.constant 0 : i32
      %dma_start3A_220 = tpu.memref_slice %arg2[%run_scoped3A, %arg0, %arg1, %run_scoped3A_183, %dma_start3A_218, %dma_start3A_219] : memref<2x2x16x5x25x80xi32, #tpu.memory_space<hbm>> -> memref<1x1x1x1x25x80xi32, #tpu.memory_space<hbm>>
      %dma_start3A_221 = tpu.memref_squeeze %dma_start3A_220 : memref<1x1x1x1x25x80xi32, #tpu.memory_space<hbm>> -> memref<25x80xi32, #tpu.memory_space<hbm>>
      %dma_start3A_222 = arith.constant 0 : i32
      %dma_start3A_223 = arith.constant 0 : i32
      %dma_start3A_224 = tpu.memref_slice %arg4[%run_scoped3A_184, %dma_start3A_222, %dma_start3A_223] : memref<2x25x80xi32, #tpu.memory_space<vmem>> -> memref<1x25x80xi32, #tpu.memory_space<vmem>>
      %dma_start3A_225 = tpu.memref_squeeze %dma_start3A_224 : memref<1x25x80xi32, #tpu.memory_space<vmem>> -> memref<25x80xi32, #tpu.memory_space<vmem>>
      %dma_start3A_226 = arith.constant 0 : i32
      %dma_start3A_227 = arith.constant 0 : i32
      %dma_start3A_228 = tpu.memref_slice %arg2[%run_scoped3A, %arg0, %arg1, %run_scoped3A_183, %dma_start3A_226, %dma_start3A_227] : memref<2x2x16x5x25x80xi32, #tpu.memory_space<hbm>> -> memref<1x1x1x1x25x80xi32, #tpu.memory_space<hbm>>
      %dma_start3A_229 = tpu.memref_squeeze %dma_start3A_228 : memref<1x1x1x1x25x80xi32, #tpu.memory_space<hbm>> -> memref<25x80xi32, #tpu.memory_space<hbm>>
      tpu.enqueue_dma source(%dma_start3A_229 : memref<25x80xi32, #tpu.memory_space<hbm>>) target(%dma_start3A_225 : memref<25x80xi32, #tpu.memory_space<vmem>>) target_semaphore(%run_scoped3A_214 : memref<!tpu.dma_semaphore, #tpu.memory_space<semaphore_mem>>)
      %dma_wait3A_230 = arith.constant 0 : i32
      %dma_wait3A_231 = arith.constant 0 : i32
      %dma_wait3A_232 = tpu.memref_slice %arg4[%run_scoped3A_184, %dma_wait3A_230, %dma_wait3A_231] : memref<2x25x80xi32, #tpu.memory_space<vmem>> -> memref<1x25x80xi32, #tpu.memory_space<vmem>>
      %dma_wait3A_233 = tpu.memref_squeeze %dma_wait3A_232 : memref<1x25x80xi32, #tpu.memory_space<vmem>> -> memref<25x80xi32, #tpu.memory_space<vmem>>
      %dma_wait3A_234 = arith.constant 0 : i32
      %dma_wait3A_235 = arith.constant 0 : i32
      %dma_wait3A_236 = tpu.memref_slice %arg2[%run_scoped3A, %arg0, %arg1, %run_scoped3A_183, %dma_wait3A_234, %dma_wait3A_235] : memref<2x2x16x5x25x80xi32, #tpu.memory_space<hbm>> -> memref<1x1x1x1x25x80xi32, #tpu.memory_space<hbm>>
      %dma_wait3A_237 = tpu.memref_squeeze %dma_wait3A_236 : memref<1x1x1x1x25x80xi32, #tpu.memory_space<hbm>> -> memref<25x80xi32, #tpu.memory_space<hbm>>
      %dma_wait3A_238 = arith.constant 0 : i32
      %dma_wait3A_239 = arith.constant 0 : i32
      %dma_wait3A_240 = tpu.memref_slice %arg4[%run_scoped3A_184, %dma_wait3A_238, %dma_wait3A_239] : memref<2x25x80xi32, #tpu.memory_space<vmem>> -> memref<1x25x80xi32, #tpu.memory_space<vmem>>
      %dma_wait3A_241 = tpu.memref_squeeze %dma_wait3A_240 : memref<1x25x80xi32, #tpu.memory_space<vmem>> -> memref<25x80xi32, #tpu.memory_space<vmem>>
      %dma_wait3A_242 = arith.constant 0 : i32
      %dma_wait3A_243 = arith.constant 0 : i32
      %dma_wait3A_244 = tpu.memref_slice %arg2[%run_scoped3A, %arg0, %arg1, %run_scoped3A_183, %dma_wait3A_242, %dma_wait3A_243] : memref<2x2x16x5x25x80xi32, #tpu.memory_space<hbm>> -> memref<1x1x1x1x25x80xi32, #tpu.memory_space<hbm>>
      %dma_wait3A_245 = tpu.memref_squeeze %dma_wait3A_244 : memref<1x1x1x1x25x80xi32, #tpu.memory_space<hbm>> -> memref<25x80xi32, #tpu.memory_space<hbm>>
      tpu.wait_dma2 semaphore(%run_scoped3A_214 : memref<!tpu.dma_semaphore, #tpu.memory_space<semaphore_mem>>) src(%dma_wait3A_245 : memref<25x80xi32, #tpu.memory_space<hbm>>) dst(%dma_wait3A_241 : memref<25x80xi32, #tpu.memory_space<vmem>>)
      tpu.yield
    }) : () -> ()
    %scan3A = arith.constant 0 : i32
    %scan3A_185 = arith.constant 0 : i32
    %scan3A_186 = arith.constant 125 : i32
    %scan3A_187 = arith.addi %scan3A_185, %scan3A_186 : i32
    %scan3A_188 = arith.constant 1 : i32
    scf.for %scan3A_214 = %scan3A_185 to %scan3A_187 step %scan3A_188  : i32 {
      %div3A = arith.constant 25 : i32
      %div3A_215 = arith.divsi %scan3A_214, %div3A : i32
      %rem3A = arith.constant 25 : i32
      %rem3A_216 = arith.remsi %scan3A_214, %rem3A : i32
      %rem3A_217 = arith.constant 2 : i32
      %rem3A_218 = arith.remsi %div3A_215, %rem3A_217 : i32
      %sub3A = arith.constant 1 : i32
      %sub3A_219 = arith.subi %sub3A, %rem3A_218 : i32
      %rem3A_220 = arith.constant 2 : i32
      %rem3A_221 = arith.remsi %scan3A_214, %rem3A_220 : i32
      %eq3A = arith.constant 0 : i32
      %eq3A_222 = arith.cmpi eq, %rem3A_216, %eq3A : i32
      %add3A = arith.constant 1 : i32
      %add3A_223 = arith.addi %div3A_215, %add3A : i32
      %lt3A = arith.constant 5 : i32
      %lt3A_224 = arith.cmpi slt, %add3A_223, %lt3A : i32
      %and3A = arith.andi %eq3A_222, %lt3A_224 : i1
      %convert_element_type3A = arith.extui %and3A : i1 to i32
      %cond3A = arith.constant 0 : i32
      %cond3A_225 = arith.cmpi ne, %convert_element_type3A, %cond3A : i32
      scf.if %cond3A_225 {
        %add3A_246 = arith.constant 1 : i32
        %add3A_247 = arith.addi %div3A_215, %add3A_246 : i32
        %dma_start3A_248 = arith.constant 1 : i32
        %dma_start3A_249 = arith.constant 0 : i32
        %dma_start3A_250 = arith.constant 0 : i32
        %dma_start3A_251 = tpu.memref_slice %arg4[%sub3A_219, %dma_start3A_249, %dma_start3A_250] : memref<2x25x80xi32, #tpu.memory_space<vmem>> -> memref<1x25x80xi32, #tpu.memory_space<vmem>>
        %dma_start3A_252 = tpu.memref_squeeze %dma_start3A_251 : memref<1x25x80xi32, #tpu.memory_space<vmem>> -> memref<25x80xi32, #tpu.memory_space<vmem>>
        %dma_start3A_253 = arith.constant 0 : i32
        %dma_start3A_254 = arith.constant 0 : i32
        %dma_start3A_255 = tpu.memref_slice %arg2[%dma_start3A_248, %arg0, %arg1, %add3A_247, %dma_start3A_253, %dma_start3A_254] : memref<2x2x16x5x25x80xi32, #tpu.memory_space<hbm>> -> memref<1x1x1x1x25x80xi32, #tpu.memory_space<hbm>>
        %dma_start3A_256 = tpu.memref_squeeze %dma_start3A_255 : memref<1x1x1x1x25x80xi32, #tpu.memory_space<hbm>> -> memref<25x80xi32, #tpu.memory_space<hbm>>
        %dma_start3A_257 = tpu.memref_slice %arg8[%sub3A_219] : memref<2x!tpu.dma_semaphore, #tpu.memory_space<semaphore_mem>> -> memref<1x!tpu.dma_semaphore, #tpu.memory_space<semaphore_mem>>
        %dma_start3A_258 = tpu.memref_squeeze %dma_start3A_257 : memref<1x!tpu.dma_semaphore, #tpu.memory_space<semaphore_mem>> -> memref<!tpu.dma_semaphore, #tpu.memory_space<semaphore_mem>>
        %dma_start3A_259 = arith.constant 0 : i32
        %dma_start3A_260 = arith.constant 0 : i32
        %dma_start3A_261 = tpu.memref_slice %arg4[%sub3A_219, %dma_start3A_259, %dma_start3A_260] : memref<2x25x80xi32, #tpu.memory_space<vmem>> -> memref<1x25x80xi32, #tpu.memory_space<vmem>>
        %dma_start3A_262 = tpu.memref_squeeze %dma_start3A_261 : memref<1x25x80xi32, #tpu.memory_space<vmem>> -> memref<25x80xi32, #tpu.memory_space<vmem>>
        %dma_start3A_263 = arith.constant 0 : i32
        %dma_start3A_264 = arith.constant 0 : i32
        %dma_start3A_265 = tpu.memref_slice %arg2[%dma_start3A_248, %arg0, %arg1, %add3A_247, %dma_start3A_263, %dma_start3A_264] : memref<2x2x16x5x25x80xi32, #tpu.memory_space<hbm>> -> memref<1x1x1x1x25x80xi32, #tpu.memory_space<hbm>>
        %dma_start3A_266 = tpu.memref_squeeze %dma_start3A_265 : memref<1x1x1x1x25x80xi32, #tpu.memory_space<hbm>> -> memref<25x80xi32, #tpu.memory_space<hbm>>
        tpu.enqueue_dma source(%dma_start3A_266 : memref<25x80xi32, #tpu.memory_space<hbm>>) target(%dma_start3A_262 : memref<25x80xi32, #tpu.memory_space<vmem>>) target_semaphore(%dma_start3A_258 : memref<!tpu.dma_semaphore, #tpu.memory_space<semaphore_mem>>)
      } else {
      }
      %eq3A_226 = arith.constant 24 : i32
      %eq3A_227 = arith.cmpi eq, %rem3A_216, %eq3A_226 : i32
      %add3A_228 = arith.constant 1 : i32
      %add3A_229 = arith.addi %div3A_215, %add3A_228 : i32
      %lt3A_230 = arith.constant 5 : i32
      %lt3A_231 = arith.cmpi slt, %add3A_229, %lt3A_230 : i32
      %and3A_232 = arith.andi %eq3A_227, %lt3A_231 : i1
      %convert_element_type3A_233 = arith.extui %and3A_232 : i1 to i32
      %cond3A_234 = arith.constant 0 : i32
      %cond3A_235 = arith.cmpi ne, %convert_element_type3A_233, %cond3A_234 : i32
      scf.if %cond3A_235 {
        %add3A_246 = arith.constant 1 : i32
        %add3A_247 = arith.addi %div3A_215, %add3A_246 : i32
        %dma_wait3A_248 = arith.constant 1 : i32
        %dma_wait3A_249 = arith.constant 0 : i32
        %dma_wait3A_250 = arith.constant 0 : i32
        %dma_wait3A_251 = tpu.memref_slice %arg4[%sub3A_219, %dma_wait3A_249, %dma_wait3A_250] : memref<2x25x80xi32, #tpu.memory_space<vmem>> -> memref<1x25x80xi32, #tpu.memory_space<vmem>>
        %dma_wait3A_252 = tpu.memref_squeeze %dma_wait3A_251 : memref<1x25x80xi32, #tpu.memory_space<vmem>> -> memref<25x80xi32, #tpu.memory_space<vmem>>
        %dma_wait3A_253 = arith.constant 0 : i32
        %dma_wait3A_254 = arith.constant 0 : i32
        %dma_wait3A_255 = tpu.memref_slice %arg2[%dma_wait3A_248, %arg0, %arg1, %add3A_247, %dma_wait3A_253, %dma_wait3A_254] : memref<2x2x16x5x25x80xi32, #tpu.memory_space<hbm>> -> memref<1x1x1x1x25x80xi32, #tpu.memory_space<hbm>>
        %dma_wait3A_256 = tpu.memref_squeeze %dma_wait3A_255 : memref<1x1x1x1x25x80xi32, #tpu.memory_space<hbm>> -> memref<25x80xi32, #tpu.memory_space<hbm>>
        %dma_wait3A_257 = tpu.memref_slice %arg8[%sub3A_219] : memref<2x!tpu.dma_semaphore, #tpu.memory_space<semaphore_mem>> -> memref<1x!tpu.dma_semaphore, #tpu.memory_space<semaphore_mem>>
        %dma_wait3A_258 = tpu.memref_squeeze %dma_wait3A_257 : memref<1x!tpu.dma_semaphore, #tpu.memory_space<semaphore_mem>> -> memref<!tpu.dma_semaphore, #tpu.memory_space<semaphore_mem>>
        %dma_wait3A_259 = arith.constant 0 : i32
        %dma_wait3A_260 = arith.constant 0 : i32
        %dma_wait3A_261 = tpu.memref_slice %arg4[%sub3A_219, %dma_wait3A_259, %dma_wait3A_260] : memref<2x25x80xi32, #tpu.memory_space<vmem>> -> memref<1x25x80xi32, #tpu.memory_space<vmem>>
        %dma_wait3A_262 = tpu.memref_squeeze %dma_wait3A_261 : memref<1x25x80xi32, #tpu.memory_space<vmem>> -> memref<25x80xi32, #tpu.memory_space<vmem>>
        %dma_wait3A_263 = arith.constant 0 : i32
        %dma_wait3A_264 = arith.constant 0 : i32
        %dma_wait3A_265 = tpu.memref_slice %arg2[%dma_wait3A_248, %arg0, %arg1, %add3A_247, %dma_wait3A_263, %dma_wait3A_264] : memref<2x2x16x5x25x80xi32, #tpu.memory_space<hbm>> -> memref<1x1x1x1x25x80xi32, #tpu.memory_space<hbm>>
        %dma_wait3A_266 = tpu.memref_squeeze %dma_wait3A_265 : memref<1x1x1x1x25x80xi32, #tpu.memory_space<hbm>> -> memref<25x80xi32, #tpu.memory_space<hbm>>
        tpu.wait_dma2 semaphore(%dma_wait3A_258 : memref<!tpu.dma_semaphore, #tpu.memory_space<semaphore_mem>>) src(%dma_wait3A_266 : memref<25x80xi32, #tpu.memory_space<hbm>>) dst(%dma_wait3A_262 : memref<25x80xi32, #tpu.memory_space<vmem>>)
      } else {
      }
      %ge3A = arith.constant 2 : i32
      %ge3A_236 = arith.cmpi sge, %scan3A_214, %ge3A : i32
      %convert_element_type3A_237 = arith.extui %ge3A_236 : i1 to i32
      %cond3A_238 = arith.constant 0 : i32
      %cond3A_239 = arith.cmpi ne, %convert_element_type3A_237, %cond3A_238 : i32
      scf.if %cond3A_239 {
        %dma_wait3A_246 = arith.constant 0 : i32
        %dma_wait3A_247 = tpu.memref_slice %arg4[%rem3A_218, %rem3A_216, %dma_wait3A_246] : memref<2x25x80xi32, #tpu.memory_space<vmem>> -> memref<1x1x80xi32, #tpu.memory_space<vmem>>
        %dma_wait3A_248 = tpu.memref_squeeze %dma_wait3A_247 : memref<1x1x80xi32, #tpu.memory_space<vmem>> -> memref<80xi32, #tpu.memory_space<vmem>>
        %dma_wait3A_249 = arith.constant 0 : i32
        %dma_wait3A_250 = tpu.memref_slice %arg7[%dma_wait3A_249] : memref<10240xf32, #tpu.memory_space<vmem_shared>> -> memref<10240xf32, #tpu.memory_space<vmem_shared>>
        %dma_wait3A_251 = tpu.memref_slice %arg9[%rem3A_221] : memref<2x!tpu.dma_semaphore, #tpu.memory_space<semaphore_mem>> -> memref<1x!tpu.dma_semaphore, #tpu.memory_space<semaphore_mem>>
        %dma_wait3A_252 = tpu.memref_squeeze %dma_wait3A_251 : memref<1x!tpu.dma_semaphore, #tpu.memory_space<semaphore_mem>> -> memref<!tpu.dma_semaphore, #tpu.memory_space<semaphore_mem>>
        tpu.wait_indirect_dma semaphore(%dma_wait3A_252 : memref<!tpu.dma_semaphore, #tpu.memory_space<semaphore_mem>>) src(%arg5 : memref<80xf32, #tpu.memory_space<vmem>>) dst(%dma_wait3A_250 : memref<10240xf32, #tpu.memory_space<vmem_shared>>)
      } else {
      }
      %dma_start3A = arith.constant 0 : i32
      %dma_start3A_240 = tpu.memref_slice %arg4[%rem3A_218, %rem3A_216, %dma_start3A] : memref<2x25x80xi32, #tpu.memory_space<vmem>> -> memref<1x1x80xi32, #tpu.memory_space<vmem>>
      %dma_start3A_241 = tpu.memref_squeeze %dma_start3A_240 : memref<1x1x80xi32, #tpu.memory_space<vmem>> -> memref<80xi32, #tpu.memory_space<vmem>>
      %dma_start3A_242 = arith.constant 0 : i32
      %dma_start3A_243 = tpu.memref_slice %arg7[%dma_start3A_242] : memref<10240xf32, #tpu.memory_space<vmem_shared>> -> memref<10240xf32, #tpu.memory_space<vmem_shared>>
      %dma_start3A_244 = tpu.memref_slice %arg9[%rem3A_221] : memref<2x!tpu.dma_semaphore, #tpu.memory_space<semaphore_mem>> -> memref<1x!tpu.dma_semaphore, #tpu.memory_space<semaphore_mem>>
      %dma_start3A_245 = tpu.memref_squeeze %dma_start3A_244 : memref<1x!tpu.dma_semaphore, #tpu.memory_space<semaphore_mem>> -> memref<!tpu.dma_semaphore, #tpu.memory_space<semaphore_mem>>
      tpu.enqueue_indirect_dma source(%arg5 : memref<80xf32, #tpu.memory_space<vmem>>) target(%dma_start3A_243 : memref<10240xf32, #tpu.memory_space<vmem_shared>>) offsets(%dma_start3A_241 : memref<80xi32, #tpu.memory_space<vmem>>) semaphore(%dma_start3A_245 : memref<!tpu.dma_semaphore, #tpu.memory_space<semaphore_mem>>) {add = true}
    }
    %scan3A_189 = arith.constant 125 : i32
    %dma_wait3A = arith.constant 0 : i32
    %dma_wait3A_190 = arith.constant 0 : i32
    %dma_wait3A_191 = arith.constant 0 : i32
    %dma_wait3A_192 = arith.constant 0 : i32
    %dma_wait3A_193 = tpu.memref_slice %arg4[%dma_wait3A, %dma_wait3A_190, %dma_wait3A_192] : memref<2x25x80xi32, #tpu.memory_space<vmem>> -> memref<1x1x80xi32, #tpu.memory_space<vmem>>
    %dma_wait3A_194 = tpu.memref_squeeze %dma_wait3A_193 : memref<1x1x80xi32, #tpu.memory_space<vmem>> -> memref<80xi32, #tpu.memory_space<vmem>>
    %dma_wait3A_195 = arith.constant 0 : i32
    %dma_wait3A_196 = tpu.memref_slice %arg7[%dma_wait3A_195] : memref<10240xf32, #tpu.memory_space<vmem_shared>> -> memref<10240xf32, #tpu.memory_space<vmem_shared>>
    %dma_wait3A_197 = tpu.memref_slice %arg9[%dma_wait3A_191] : memref<2x!tpu.dma_semaphore, #tpu.memory_space<semaphore_mem>> -> memref<1x!tpu.dma_semaphore, #tpu.memory_space<semaphore_mem>>
    %dma_wait3A_198 = tpu.memref_squeeze %dma_wait3A_197 : memref<1x!tpu.dma_semaphore, #tpu.memory_space<semaphore_mem>> -> memref<!tpu.dma_semaphore, #tpu.memory_space<semaphore_mem>>
    tpu.wait_indirect_dma semaphore(%dma_wait3A_198 : memref<!tpu.dma_semaphore, #tpu.memory_space<semaphore_mem>>) src(%arg5 : memref<80xf32, #tpu.memory_space<vmem>>) dst(%dma_wait3A_196 : memref<10240xf32, #tpu.memory_space<vmem_shared>>)
    %dma_wait3A_199 = arith.constant 0 : i32
    %dma_wait3A_200 = arith.constant 0 : i32
    %dma_wait3A_201 = arith.constant 1 : i32
    %dma_wait3A_202 = arith.constant 0 : i32
    %dma_wait3A_203 = tpu.memref_slice %arg4[%dma_wait3A_199, %dma_wait3A_200, %dma_wait3A_202] : memref<2x25x80xi32, #tpu.memory_space<vmem>> -> memref<1x1x80xi32, #tpu.memory_space<vmem>>
    %dma_wait3A_204 = tpu.memref_squeeze %dma_wait3A_203 : memref<1x1x80xi32, #tpu.memory_space<vmem>> -> memref<80xi32, #tpu.memory_space<vmem>>
    %dma_wait3A_205 = arith.constant 0 : i32
    %dma_wait3A_206 = tpu.memref_slice %arg7[%dma_wait3A_205] : memref<10240xf32, #tpu.memory_space<vmem_shared>> -> memref<10240xf32, #tpu.memory_space<vmem_shared>>
    %dma_wait3A_207 = tpu.memref_slice %arg9[%dma_wait3A_201] : memref<2x!tpu.dma_semaphore, #tpu.memory_space<semaphore_mem>> -> memref<1x!tpu.dma_semaphore, #tpu.memory_space<semaphore_mem>>
    %dma_wait3A_208 = tpu.memref_squeeze %dma_wait3A_207 : memref<1x!tpu.dma_semaphore, #tpu.memory_space<semaphore_mem>> -> memref<!tpu.dma_semaphore, #tpu.memory_space<semaphore_mem>>
    tpu.wait_indirect_dma semaphore(%dma_wait3A_208 : memref<!tpu.dma_semaphore, #tpu.memory_space<semaphore_mem>>) src(%arg5 : memref<80xf32, #tpu.memory_space<vmem>>) dst(%dma_wait3A_206 : memref<10240xf32, #tpu.memory_space<vmem_shared>>)
    %barrier3A_209 = arith.constant 0 : index
    tpu.barrier barrier_id(%barrier3A_209)
    %mul3A_210 = arith.constant 640 : i32
    %mul3A_211 = arith.muli %arg1, %mul3A_210 : i32
    %mul3A_212 = arith.constant 640 : i32
    %mul3A_213 = arith.muli %arg1, %mul3A_212 : i32
    "tpu.region"() ({
      %run_scoped3A_214 = tpu.sem_alloc : memref<!tpu.dma_semaphore, #tpu.memory_space<semaphore_mem>>
      %dma_start3A = tpu.memref_slice %arg3[%arg0, %mul3A_213] : memref<2x10240xf32, #tpu.memory_space<hbm>> -> memref<1x640xf32, #tpu.memory_space<hbm>>
      %dma_start3A_215 = tpu.memref_squeeze %dma_start3A : memref<1x640xf32, #tpu.memory_space<hbm>> -> memref<640xf32, #tpu.memory_space<hbm>>
      %dma_start3A_216 = tpu.memref_slice %arg7[%mul3A_211] : memref<10240xf32, #tpu.memory_space<vmem_shared>> -> memref<640xf32, #tpu.memory_space<vmem_shared>>
      tpu.enqueue_dma source(%dma_start3A_216 : memref<640xf32, #tpu.memory_space<vmem_shared>>) target(%dma_start3A_215 : memref<640xf32, #tpu.memory_space<hbm>>) target_semaphore(%run_scoped3A_214 : memref<!tpu.dma_semaphore, #tpu.memory_space<semaphore_mem>>)
      %dma_wait3A_217 = tpu.memref_slice %arg3[%arg0, %mul3A_213] : memref<2x10240xf32, #tpu.memory_space<hbm>> -> memref<1x640xf32, #tpu.memory_space<hbm>>
      %dma_wait3A_218 = tpu.memref_squeeze %dma_wait3A_217 : memref<1x640xf32, #tpu.memory_space<hbm>> -> memref<640xf32, #tpu.memory_space<hbm>>
      %dma_wait3A_219 = tpu.memref_slice %arg7[%mul3A_211] : memref<10240xf32, #tpu.memory_space<vmem_shared>> -> memref<640xf32, #tpu.memory_space<vmem_shared>>
      tpu.wait_dma2 semaphore(%run_scoped3A_214 : memref<!tpu.dma_semaphore, #tpu.memory_space<semaphore_mem>>) src(%dma_wait3A_219 : memref<640xf32, #tpu.memory_space<vmem_shared>>) dst(%dma_wait3A_218 : memref<640xf32, #tpu.memory_space<hbm>>)
      tpu.yield
    }) : () -> ()
    return
  }
}

module attributes {stable_mosaic.version = 14 : i64} {
  func.func @_out_body(%arg0: i32, %arg1: memref<2x2000x128xf32, #tpu.memory_space<vmem>>, %arg2: memref<128x128xf32, #tpu.memory_space<vmem>>, %arg3: memref<2000x1xf32, #tpu.memory_space<vmem>>, %arg4: memref<1x128xf32, #tpu.memory_space<vmem>>, %arg5: memref<2000x128xf32, #tpu.memory_space<vmem>>) attributes {dimension_semantics = [#tpu.dimension_semantics<arbitrary>], iteration_bounds = array<i64: 5>, scalar_prefetch = 0 : i64, scratch_operands = 0 : i64, tpu.core_type = #tpu.core_type<tc>, window_params = [{transform_indices = @transform_0, window_bounds = array<i64: 2, 2000, 128>}, {pipeline_mode = #tpu.pipeline_mode<synchronous>, transform_indices = @transform_1, window_bounds = array<i64: 128, 128>}, {transform_indices = @transform_2, window_bounds = array<i64: 2000, 1>}, {pipeline_mode = #tpu.pipeline_mode<synchronous>, transform_indices = @transform_3, window_bounds = array<i64: 1, 128>}, {transform_indices = @transform_4, window_bounds = array<i64: 2000, 128>}]} {
    %get3A = arith.constant 0 : index
    %get3A_0 = arith.constant 0 : index
    %get3A_1 = arith.constant 0 : index
    %get3A_2 = vector.load %arg1[%get3A, %get3A_0, %get3A_1] : memref<2x2000x128xf32, #tpu.memory_space<vmem>>, vector<1x2000x128xf32>
    %get3A_3 = vector.shape_cast %get3A_2 : vector<1x2000x128xf32> to vector<2000x128xf32>
    %get3A_4 = arith.constant 1 : index
    %get3A_5 = arith.constant 0 : index
    %get3A_6 = arith.constant 0 : index
    %get3A_7 = vector.load %arg1[%get3A_4, %get3A_5, %get3A_6] : memref<2x2000x128xf32, #tpu.memory_space<vmem>>, vector<1x2000x128xf32>
    %get3A_8 = vector.shape_cast %get3A_7 : vector<1x2000x128xf32> to vector<2000x128xf32>
    %add3A = arith.addf %get3A_3, %get3A_8 : vector<2000x128xf32>
    %get3A_9 = arith.constant 0 : index
    %get3A_10 = arith.constant 0 : index
    %get3A_11 = vector.load %arg2[%get3A_9, %get3A_10] : memref<128x128xf32, #tpu.memory_space<vmem>>, vector<128x128xf32>
    %dot_general3A = arith.constant dense<0.000000e+00> : vector<2000x128xf32>
    %dot_general3A_12 = tpu.matmul %add3A, %get3A_11, %dot_general3A {dimension_numbers = #tpu.dot_dimension_numbers<[1], [0], [0], [1], [0, 0, 1, 1], [], []>, transpose_lhs_hint = false} : vector<2000x128xf32>, vector<128x128xf32>, vector<2000x128xf32> -> vector<2000x128xf32>
    %get3A_13 = arith.constant 0 : index
    %get3A_14 = arith.constant 0 : index
    %get3A_15 = vector.load %arg3[%get3A_13, %get3A_14] : memref<2000x1xf32, #tpu.memory_space<vmem>>, vector<2000x1xf32>
    %mul3A = vector.broadcast %get3A_15 : vector<2000x1xf32> to vector<2000x128xf32>
    %mul3A_16 = arith.mulf %dot_general3A_12, %mul3A : vector<2000x128xf32>
    %get3A_17 = arith.constant 0 : index
    %get3A_18 = arith.constant 0 : index
    %get3A_19 = vector.load %arg4[%get3A_17, %get3A_18] : memref<1x128xf32, #tpu.memory_space<vmem>>, vector<1x128xf32>
    %add3A_20 = vector.broadcast %get3A_19 : vector<1x128xf32> to vector<2000x128xf32>
    %add3A_21 = arith.addf %mul3A_16, %add3A_20 : vector<2000x128xf32>
    %swap3A = arith.constant 0 : index
    %swap3A_22 = arith.constant 0 : index
    %swap3A_23 = vector.load %arg5[%swap3A, %swap3A_22] : memref<2000x128xf32, #tpu.memory_space<vmem>>, vector<2000x128xf32>
    tpu.vector_store %arg5[%swap3A, %swap3A_22], %add3A_21 {strides = array<i32>} : memref<2000x128xf32, #tpu.memory_space<vmem>>, vector<2000x128xf32>,
    return
  }
  func.func @transform_0(%arg0: i32) -> (i32, i32, i32) {
    %c0_i32 = arith.constant 0 : i32
    %c0_i32_0 = arith.constant 0 : i32
    %c0_i32_1 = arith.constant 0 : i32
    return %c0_i32, %arg0, %c0_i32_0 : i32, i32, i32
  }
  func.func @transform_1(%arg0: i32) -> (i32, i32) {
    %c0_i32 = arith.constant 0 : i32
    %c0_i32_0 = arith.constant 0 : i32
    %c0_i32_1 = arith.constant 0 : i32
    return %c0_i32, %c0_i32_0 : i32, i32
  }
  func.func @transform_2(%arg0: i32) -> (i32, i32) {
    %c0_i32 = arith.constant 0 : i32
    %c0_i32_0 = arith.constant 0 : i32
    return %arg0, %c0_i32 : i32, i32
  }
  func.func @transform_3(%arg0: i32) -> (i32, i32) {
    %c0_i32 = arith.constant 0 : i32
    %c0_i32_0 = arith.constant 0 : i32
    %c0_i32_1 = arith.constant 0 : i32
    return %c0_i32, %c0_i32_0 : i32, i32
  }
  func.func @transform_4(%arg0: i32) -> (i32, i32) {
    %c0_i32 = arith.constant 0 : i32
    %c0_i32_0 = arith.constant 0 : i32
    return %arg0, %c0_i32 : i32, i32
  }
}

module attributes {stable_mosaic.version = 14 : i64} {
  func.func @_h_body(%arg0: memref<2x10240xf32, #tpu.memory_space<vmem>>, %arg1: memref<10000x128xf32, #tpu.memory_space<vmem>>, %arg2: memref<10000x128xf32, #tpu.memory_space<vmem>>, %arg3: memref<10000x1xf32, #tpu.memory_space<vmem>>) attributes {dimension_semantics = [], scalar_prefetch = 0 : i64, scratch_operands = 0 : i64, tpu.core_type = #tpu.core_type<tc>} {
    %get3A = arith.constant 0 : index
    %get3A_0 = arith.constant 0 : index
    %get3A_1 = vector.load %arg0[%get3A, %get3A_0] : memref<2x10240xf32, #tpu.memory_space<vmem>>, vector<1x10240xf32>
    %get3A_2 = vector.shape_cast %get3A_1 : vector<1x10240xf32> to vector<10240xf32>
    %get3A_3 = arith.constant 1 : index
    %get3A_4 = arith.constant 0 : index
    %get3A_5 = vector.load %arg0[%get3A_3, %get3A_4] : memref<2x10240xf32, #tpu.memory_space<vmem>>, vector<1x10240xf32>
    %get3A_6 = vector.shape_cast %get3A_5 : vector<1x10240xf32> to vector<10240xf32>
    %add3A = arith.addf %get3A_2, %get3A_6 : vector<10240xf32>
    %max3A = arith.constant 1.000000e+00 : f32
    %max3A_7 = vector.broadcast %max3A : f32 to vector<10240xf32>
    %max3A_8 = arith.maximumf %add3A, %max3A_7 : vector<10240xf32>
    %rsqrt3A = math.rsqrt %max3A_8 : vector<10240xf32>
    %slice3A = vector.extract_strided_slice %rsqrt3A {offsets = [0], sizes = [10000], strides = [1]} : vector<10240xf32> to vector<10000xf32>
    %broadcast_in_dim3A = vector.shape_cast %slice3A : vector<10000xf32> to vector<10000x1xf32>
    %swap3A = arith.constant 0 : index
    %swap3A_9 = arith.constant 0 : index
    %swap3A_10 = vector.load %arg3[%swap3A, %swap3A_9] : memref<10000x1xf32, #tpu.memory_space<vmem>>, vector<10000x1xf32>
    tpu.vector_store %arg3[%swap3A, %swap3A_9], %broadcast_in_dim3A {strides = array<i32>} : memref<10000x1xf32, #tpu.memory_space<vmem>>, vector<10000x1xf32>,
    %get3A_11 = arith.constant 0 : index
    %get3A_12 = arith.constant 0 : index
    %get3A_13 = vector.load %arg1[%get3A_11, %get3A_12] : memref<10000x128xf32, #tpu.memory_space<vmem>>, vector<10000x128xf32>
    %mul3A = vector.broadcast %broadcast_in_dim3A : vector<10000x1xf32> to vector<10000x128xf32>
    %mul3A_14 = arith.mulf %get3A_13, %mul3A : vector<10000x128xf32>
    %swap3A_15 = arith.constant 0 : index
    %swap3A_16 = arith.constant 0 : index
    %swap3A_17 = vector.load %arg2[%swap3A_15, %swap3A_16] : memref<10000x128xf32, #tpu.memory_space<vmem>>, vector<10000x128xf32>
    tpu.vector_store %arg2[%swap3A_15, %swap3A_16], %mul3A_14 {strides = array<i32>} : memref<10000x128xf32, #tpu.memory_space<vmem>>, vector<10000x128xf32>,
    return
  }
}

</mosaic_0001>

<sc_bundles>
// kernel: kernel.6.cloned.1.call-start
scs
__scs_entry_jumppad:
0x0: {  	(pc) =	sbr.rel $0x88, $3  }
0x1: {  	(tag) =	ssettag $0x0;
	lr =	simm.s32 $0x1  }
0x2: {  	[smem:$0x3F9D] =	sst lr;
	_ =	strace $0xD0000000  }
0x3: {  	_ = 	snop  }
0x4: {  	_ = 	snop  }
0x5: {  	_ = 	snop  }
0x6: {  	_ = 	snop  }
0x7: {  	_ = 	snop  }
__scs_overlays_trampoline_lowered:
0x8: {  	[smem:$0x3FAC] =	sst s0  }
0x9: {  	[smem:$0x3FAD] =	sst s1  }
0xa: {  	[smem:$0x3FAE] =	sst s2  }
0xb: {  	[smem:$0x3FAF] =	sst s3  }
0xc: {  	[smem:$0x3FB0] =	sst s4  }
0xd: {  	[smem:$0x3FB1] =	sst s5  }
0xe: {  	[smem:$0x3FB2] =	sst s6  }
0xf: {  	[smem:$0x3FB3] =	sst s7  }
0x10: {  	[smem:$0x3FB4] =	sst s8  }
0x11: {  	[smem:$0x3FB5] =	sst s9;
	s0 =	simm.s32 @!p0 $0x0  }
0x12: {  	s1 =	sld [smem:$0x3F9B];
	s0 =	simm.s32 @p0 $0x1  }
0x13: {  	[smem:$0x3FB6] =	sst s0;
	s0 =	simm.s32 @!p1 $0x0  }
0x14: {  	s2 =	sld [smem:$0x3F9A];
	s0 =	simm.s32 @p1 $0x1  }
0x15: {  	[smem:$0x3FB7] =	sst s0;
	s0 =	simm.s32 @!p2 $0x0  }
0x16: {  	s3 =	sld [smem:$0x3FDB];
	s0 =	simm.s32 @p2 $0x1  }
0x17: {  	s4 =	simm.s32 $0x1BF5;
	[smem:$0x3FB9] =	sst s0  }
0x18: {  	s0 =	sld [smem:$0x3F9C];
	_ =	swait.ge [sflag:s4], $0x0  }
0x19: {  	s7 =	sld [smem:$0x3F9D]  }
0x1a: {  	s8 =	sadd.s32 $0xFFFFE003, lr  }
0x1b: {  	s9 =	sadd.s32 $0xFFFFFEF7, lr;
	s5 =	simm.s32 $0xFFFFFFFF;
	p2 =	slt.u32 s8, $0xFFFFF086  }
0x1c: {  	p1 =	slt.u32 s9, $0xF7A;
	s5 =	simm.s32 @!p2 $0x0  }
0x1d: {  	s5 =	simm.s32 @p1 $0x1;
	p0 =	seq.s32 s7, s2  }
0x1e: {  	s7 =	smul.u32 @!p0 $0xF7A, s2;
	p2 =	seq.s32 @!p0 s5, $0x0  }
0x1f: {  	s9 =	smul.u32 $0xF7A, s1;
	s8 =	simm.s32 @!p0 $0x1BF5;
	p2 =	por !p2, p0  }
0x20: {  	[sflag:s8] =	ssyncset.s32 @!p0 $0xFFFFF086;
	s6 =	sadd.s32 @!p0 s3, s7;
	s7 =	simm.s32 @!p0 $0x108  }
0x21: {  	s3 =	sadd.s32 s3, s9;
	s6 =	sadd.s32 @!p0 $0x88, s6;
	s7 =	simm.s32 @p2 $0x1082  }
0x22: {  	[simem:s7], [sflag:s8] =	dma.local @!p0 [hbm:s6], $0xF7A  }
0x23: {  	s9 =	sor.u32 $0xD0000000, s2;
	s6 =	simm.s32 $0x108;
	_ =	swait.ge @!p0 [sflag:s8], $0x0  }
0x24: {  	s3 =	sadd.s32 $0x88, s3;
	s6 =	simm.s32 @!p1 $0x1082;
	[sflag:s4] =	ssyncset.s32 $0xFFFFF086  }
0x25: {  	[simem:s6], [sflag:s4] =	dma.local [hbm:s3], $0xF7A  }
0x26: {  	[smem:$0x3F9D] =	sst s1;
	(tag) =	ssettag s2;
	_ =	strace s9  }
0x27: {  	s1 =	sld [smem:$0x3FAD]  }
0x28: {  	s2 =	sld [smem:$0x3FAE]  }
0x29: {  	s4 =	sld [smem:$0x3FB0]  }
0x2a: {  	p0 =	seq.s32 s5, $0x0;
	s5 =	sld [smem:$0x3FB1]  }
0x2b: {  	s6 =	sld [smem:$0x3FB2]  }
0x2c: {  	s7 =	sld [smem:$0x3FB3]  }
0x2d: {  	s3 =	simm.s32 $0x108;
	s8 =	sld [smem:$0x3FB4]  }
0x2e: {  	s3 =	simm.s32 @!p0 $0x1082;
	s9 =	sld [smem:$0x3FB5]  }
0x2f: {  	lr =	sadd.s32 s0, s3;
	s0 =	sld [smem:$0x3FAC]  }
0x30: {  	s3 =	sld [smem:$0x3FAF]  }
0x31: {  	[smem:$0x3FB8] =	sst s10  }
0x32: {  	s10 =	sld [smem:$0x3FB6];
	_ =	sdelay $0x3  }
0x33: {  	p0 =	seq.s32 s10, $0x1;
	s10 =	sld [smem:$0x3FB8];
	_ =	sdelay $0x3  }
0x34: {  	[smem:$0x3FB8] =	sst s10  }
0x35: {  	s10 =	sld [smem:$0x3FB7];
	_ =	sdelay $0x3  }
0x36: {  	p1 =	seq.s32 s10, $0x1;
	s10 =	sld [smem:$0x3FB8];
	_ =	sdelay $0x3  }
0x37: {  	[smem:$0x3FB8] =	sst s10  }
0x38: {  	s10 =	sld [smem:$0x3FB9]  }
0x39: {  	_ = 	snop;
	(pc) =	sbr.ind lr, $3  }
0x3a: {  	_ = 	snop  }
0x3b: {  	_ = 	snop  }
0x3c: {  	p2 =	seq.s32 s10, $0x1;
	s10 =	sld [smem:$0x3FB8]  }
0x3d: {  	_ =	shalt  }
0x3e: {  	_ =	shalt  }
0x3f: {  	_ =	shalt  }
0x40: {  	_ =	shalt  }
0x41: {  	_ =	shalt  }
0x42: {  	_ =	shalt  }
0x43: {  	_ =	shalt  }
0x44: {  	_ =	shalt  }
0x45: {  	_ =	shalt  }
0x46: {  	_ =	shalt  }
0x47: {  	_ =	shalt  }
0x48: {  	_ =	shalt  }
0x49: {  	_ =	shalt  }
0x4a: {  	_ =	shalt  }
0x4b: {  	_ =	shalt  }
0x4c: {  	_ =	shalt  }
0x4d: {  	_ =	shalt  }
0x4e: {  	_ =	shalt  }
0x4f: {  	_ =	shalt  }
0x50: {  	_ =	shalt  }
0x51: {  	_ =	shalt  }
0x52: {  	_ =	shalt  }
0x53: {  	_ =	shalt  }
0x54: {  	_ =	shalt  }
0x55: {  	_ =	shalt  }
0x56: {  	_ =	shalt  }
0x57: {  	_ =	shalt  }
0x58: {  	_ =	shalt  }
0x59: {  	_ =	shalt  }
0x5a: {  	_ =	shalt  }
0x5b: {  	_ =	shalt  }
0x5c: {  	_ =	shalt  }
0x5d: {  	_ =	shalt  }
0x5e: {  	_ =	shalt  }
0x5f: {  	_ =	shalt  }
0x60: {  	_ =	shalt  }
0x61: {  	_ =	shalt  }
0x62: {  	_ =	shalt  }
0x63: {  	_ =	shalt  }
0x64: {  	_ =	shalt  }
0x65: {  	_ =	shalt  }
0x66: {  	_ =	shalt  }
0x67: {  	_ =	shalt  }
0x68: {  	_ =	shalt  }
0x69: {  	_ =	shalt  }
0x6a: {  	_ =	shalt  }
0x6b: {  	_ =	shalt  }
0x6c: {  	_ =	shalt  }
0x6d: {  	_ =	shalt  }
0x6e: {  	_ =	shalt  }
0x6f: {  	_ =	shalt  }
0x70: {  	_ =	shalt  }
0x71: {  	_ =	shalt  }
0x72: {  	_ =	shalt  }
0x73: {  	_ =	shalt  }
0x74: {  	_ =	shalt  }
0x75: {  	_ =	shalt  }
0x76: {  	_ =	shalt  }
0x77: {  	_ =	shalt  }
0x78: {  	_ =	shalt  }
0x79: {  	_ =	shalt  }
0x7a: {  	_ =	shalt  }
0x7b: {  	_ =	shalt  }
0x7c: {  	_ =	shalt  }
0x7d: {  	_ =	shalt  }
0x7e: {  	_ =	shalt  }
0x7f: {  	_ =	shalt  }
0x80: {  	_ =	shalt  }
0x81: {  	_ =	shalt  }
0x82: {  	_ =	shalt  }
0x83: {  	_ =	shalt  }
0x84: {  	_ =	shalt  }
0x85: {  	_ =	shalt  }
0x86: {  	_ =	shalt  }
0x87: {  	_ =	shalt  }
.Lfunc_end0:
.L_simem_size_0:
called_computation_lowered:
.L_overlay_start_0:
0x88: {  	s2 =	sld [smem:$0x3FD9]  }
0x89: {  	s3 =	sld [smem:$0x3FFE];
	_ =	sdelay $0x1  }
0x8a: {  	s1 =	srdreg.scid  }
0x8b: {  	s0 =	sand.u32 $0x1, s1  }
0x8c: {  	s17 =	sshll.u32 s0, $0xA;
	s2 =	sadd.s32 s3, s2  }
0x8d: {  	s2 =	sadd.s32 s2, s17  }
0x8e: {  	[smem:$0x3FC4] =	sst s2  }
0x8f: {  	_ = 	snop  }
0x90: {  	s2 =	sld [smem:$0x3FD0];
	(tm) =	ssettm $0x1  }
0x91: {  	s18 =	sld [smem:$0x3FFB];
	_ =	sdelay $0x3  }
0x92: {  	_ =	strace s18  }
0x93: {  	s3 =	sld [smem:$0x3FFC];
	_ =	sdelay $0x3  }
0x94: {  	_ =	strace s3  }
0x95: {  	s3 =	sld [smem:$0x3FFD];
	_ =	sdelay $0x3  }
0x96: {  	_ =	strace s3  }
0x97: {  	_ =	strace $0x8FFFFFFF  }
0x98: {  	s19 =	sld [smem:$0x3FDB];
	_ =	sdelay $0x1  }
0x99: {  	s4 =	simm.s32 $_scs_section_size  }
0x9a: {  	s5 =	simm.s32 $_size__tile_overlayer_lowered;
	s6 =	simm.s32 $_tile_overlayer_lowered  }
0x9b: {  	s22 =	simm.s32 $0x1BFF;
	s21 =	sshll.u32 s6, $0x1;
	s3 =	sadd.s32 s4, s19  }
0x9c: {  	s7 =	simm.s32 $0x0;
	s20 =	sshll.u32 s5, $0x1;
	s5 =	sadd.s32 s21, s3  }
0x9d: {  	[timem:s7], [sflag:s22] =	dma.local [hbm:s5], s20  }
0x9e: {  	_ =	swait.ge [sflag:s22], s20  }
0x9f: {  	s4 =	ssub.s32 $0x0, s20;
	[sflag:s22] =	ssyncset.done $0x0  }
0xa0: {  	[sflag:s22] =	ssyncadd.s32 s4;
	_ =	sdelay $0x1  }
0xa1: {  	s23 =	simm.s32 $0x1B8B  }
0xa2: {  	_ =	swait.ge [sflag:s23], $0x1  }
0xa3: {  	[sflag:s23] =	ssyncset.done $0x0  }
0xa4: {  	s25 =	simm.s32 $0x1B8E;
	s24 =	sld [smem:$0x3FFE];
	[sflag:s23] =	ssyncadd.s32 $0xFFFFFFFF  }
0xa5: {  	s26 =	simm.s32 $execute0_lowered;
	[smem:$0x3FD2] =	sst s25  }
0xa6: {  	s5 =	sshll.u32 s26, $0x1;
	_ =	strace $0x80000046;
	[dreg:$0x1] =	wrdreg $0xFFFFFFFF  }
0xa7: {  	s28 =	simm.s32 $_size_execute0_lowered;
	s3 =	sadd.s32 s3, s5;
	[dreg:$0x0] =	wrdreg $0x0  }
0xa8: {  	s5 =	sshll.u32 s28, $0x1;
	[dreg:$0x2] =	wrdreg s3  }
0xa9: {  	[dreg:$0x3] =	wrdreg s5  }
0xaa: {  	[dreg:$0x4] =	wrdreg $0xC0  }
0xab: {  	_ =	task [dreg:s7], $0x5FFFF  }
0xac: {  	[dreg:$0x1] =	wrdreg $0xFFFFFFFF  }
0xad: {  	[dreg:$0x0] =	wrdreg $0x60  }
0xae: {  	[dreg:$0x2] =	wrdreg s24  }
0xaf: {  	[dreg:$0x3] =	wrdreg s2  }
0xb0: {  	[dreg:$0x4] =	wrdreg $0x23000  }
0xb1: {  	[dreg:$0x5] =	wrdreg $0x9  }
0xb2: {  	_ =	task.clear_ibuf [dreg:s7], $0x6FFFF;
	_ =	strace $0x90000046  }
0xb3: {  	s29 =	simm.s32 $0x9;
	_ =	strace $0x80000048  }
0xb4: {  	_ =	swait.ge [sflag:s29], $0x1  }
0xb5: {  	[sflag:s29] =	ssyncadd.s32 $0xFFFFFFFF  }
0xb6: {  	_ =	strace $0x90000048  }
0xb7: {  	_ =	sfence  }
0xb8: {  	s30 =	sld [smem:$0x0];
	_ =	sdelay $0x2  }
0xb9: {  	s31 =	sshll.u32 s1, $0xD;
	s1 =	sshrl.u32 s1, $0x2  }
0xba: {  	s3 =	sand.u32 $0x4000, s31;
	s1 =	sadd.s32 s1, s30  }
0xbb: {  	s0 =	sor.u32 s3, s0;
	s1 =	sshll.u32 s1, $0x11  }
0xbc: {  	s0 =	sor.u32 s1, s0  }
0xbd: {  	s0 =	sadd.s32 $0x8F2B, s0  }
0xbe: {  	[sflag:s0] =	ssyncadd.remote.s32 $0x1  }
0xbf: {  	_ =	sfence.sel $0xFFFF  }
0xc0: {  	[dreg:$0x0] =	wrdreg $0xFFFFFFFF;
	(pc) =	sbr.abs _section_cstart, $3  }
0xc1: {  	[dreg:$0x1] =	wrdreg $0xFFFFFFFF  }
0xc2: {  	_ =	task.clear_ibuf [dreg:s7], $0x2FFFF;
	_ =	strace $0x9FFFFFFF  }
0xc3: {  	(tm) =	ssettm $0x7FFFFFFF  }
tec
execute0_lowered:
.L_overlay_start_1:
0x0: {  	(tag) =	ssettag $0x1  }
0x1: {  	s4 =	rddreg [dreg:$0x0]  }
0x2: {  	s8 =	rddreg [dreg:$0x1]  }
0x3: {  	s1 =	rddreg [dreg:$0x2]  }
0x4: {  	s0 =	rddreg [dreg:$0x3];
	s3 =	simm.s32 $0x0  }
0x5: {  	s2 =	srdreg.scid;
	s13 =	simm.s32 $0x2000;
	s14 =	simm.s32 $0x3  }
0x6: {  	s15 =	simm.s32 $0x4;
	s18 =	simm.s32 $0x1;
	s5 =	sand.u32 $0x1, s2  }
0x7: {  	s19 =	simm.s32 $0x20;
	s2 =	stileid.u32;
	s6 =	smul.u32 $0x50000, s5  }
0x8: {  	s20 =	simm.s32 $0x10;
	s21 =	simm.s32 $0x0;
	s9 =	smul.u32 $0x5000, s2  }
0x9: {  	[smem:$0x7FF] =	sst s3;
	s4 =	sadd.s32 $0x1C00, s4;
	s11 =	smul.u32 $0xA00, s2  }
0xa: {  	_ =	strace $0x80000047;
	s7 =	ssub.s32 $0x2, s5;
	s25 =	smul.u32 $0x500, s2  }
0xb: {  	s12 =	sshll.u32 s5, $0x7;
	s16 =	sshll.u32 s2, $0x6;
	s10 =	sshrl.u32 s7, $0x1  }
0xc: {  	s16 =	sor.u32 $0x1C05, s16;
	s10 =	ssub.s32 s7, s10;
	s24 =	sadd.s32 s9, s6  }
.Ltmp0:
0xd: {  	s26 =	sshrl.u32 s11, $0x2;
	s30 =	sor.u32 s12, s25;
	(pc) =	sbr.rel .LBB2_1-.Ltmp0, $4  }
0xe: {  	s11 =	simm.s32 $0x5;
	s12 =	simm.s32 $0x50;
	s28 =	sshrl.u32 s24, $0x3  }
0xf: {  	s5 =	sadd.s32 s26, s1;
	s7 =	sadd.s32 $0xA1000, s24;
	s31 =	sshrl.u32 s30, $0x3  }
0x10: {  	s9 =	smax.u32 s10, $0x1;
	s10 =	simm.s32 $0x2080;
	s29 =	sadd.s32 s4, s28  }
0x11: {  	v0 =	vimm.f32 $1.000000000e+00;
	v1 =	vimm.f32 $0.0e+00;
	s8 =	sadd.s32 s8, s31;
	s17 =	sshrl.u32 s5, $0x3;
	s6 =	sadd.s32 $0x14000, s29  }
.LBB2_9:
0x12: {  	_ =	swait.ge [sflag:s14], $0x50  }
0x13: {  	[sflag:s14] =	ssyncset.done $0x0  }
0x14: {  	[sflag:s14] =	ssyncadd.s32 $0xFFFFFFB0  }
0x15: {  	_ =	swait.ge [sflag:s15], $0x50  }
0x16: {  	s21 =	sadd.s32 $0x1, s21;
	[sflag:s15] =	ssyncset.done $0x0  }
0x17: {  	p0 =	sne.s32 s21, s9;
	[sflag:s15] =	ssyncadd.s32 $0xFFFFFFB0  }
.Ltmp1:
0x18: {  	[bflag:$0x0] =	sbarrier.arrive $0xFFFF;
	(pc) =	sbr.rel @!p0 .LBB2_10-.Ltmp1, $4  }
0x19: {  	[hbm:s8@s19], [sflag:s16] =	dma.strided [spmem:s17@s20], $0x50, s18, $0x10   }
0x1a: {  	_ =	swait.ge [sflag:s11], $0x50  }
0x1b: {  	[sflag:s11] =	ssyncset.done $0x0  }
0x1c: {  	[sflag:s11] =	ssyncadd.s32 $0xFFFFFFB0  }
.LBB2_1:
0x1d: {  	[tilespmem:$0x2000] =	vst v0  }
0x1e: {  	[tilespmem:$0x2010] =	vst v0  }
0x1f: {  	[tilespmem:$0x2020] =	vst v0  }
0x20: {  	[tilespmem:$0x2030] =	vst v0  }
0x21: {  	[tilespmem:$0x2040] =	vst v0  }
0x22: {  	[tilespmem:$0x2080] =	vst v1  }
0x23: {  	[tilespmem:$0x2090] =	vst v1  }
0x24: {  	[tilespmem:$0x20A0] =	vst v1  }
0x25: {  	[tilespmem:$0x20B0] =	vst v1  }
0x26: {  	[tilespmem:$0x20C0] =	vst v1  }
0x27: {  	[tilespmem:$0x20D0] =	vst v1  }
0x28: {  	[tilespmem:$0x20E0] =	vst v1  }
0x29: {  	[tilespmem:$0x20F0] =	vst v1  }
0x2a: {  	[tilespmem:$0x2100] =	vst v1  }
0x2b: {  	[tilespmem:$0x2110] =	vst v1  }
0x2c: {  	[tilespmem:$0x2120] =	vst v1  }
0x2d: {  	[tilespmem:$0x2130] =	vst v1  }
0x2e: {  	[tilespmem:$0x2140] =	vst v1  }
0x2f: {  	[tilespmem:$0x2150] =	vst v1  }
0x30: {  	[tilespmem:$0x2160] =	vst v1  }
0x31: {  	[tilespmem:$0x2170] =	vst v1  }
0x32: {  	[tilespmem:$0x2180] =	vst v1  }
0x33: {  	[tilespmem:$0x2190] =	vst v1  }
0x34: {  	[tilespmem:$0x21A0] =	vst v1  }
0x35: {  	[tilespmem:$0x21B0] =	vst v1  }
0x36: {  	[tilespmem:$0x21C0] =	vst v1  }
0x37: {  	[tilespmem:$0x21D0] =	vst v1  }
0x38: {  	[tilespmem:$0x21E0] =	vst v1  }
0x39: {  	[tilespmem:$0x21F0] =	vst v1  }
0x3a: {  	[tilespmem:$0x2200] =	vst v1  }
0x3b: {  	[tilespmem:$0x2210] =	vst v1  }
0x3c: {  	[tilespmem:$0x2220] =	vst v1  }
0x3d: {  	[tilespmem:$0x2230] =	vst v1  }
0x3e: {  	[tilespmem:$0x2240] =	vst v1  }
0x3f: {  	[tilespmem:$0x2250] =	vst v1  }
0x40: {  	[tilespmem:$0x2260] =	vst v1  }
0x41: {  	[tilespmem:$0x2270] =	vst v1  }
0x42: {  	[tilespmem:$0x2280] =	vst v1  }
0x43: {  	[tilespmem:$0x2290] =	vst v1  }
0x44: {  	[tilespmem:$0x22A0] =	vst v1  }
0x45: {  	[tilespmem:$0x22B0] =	vst v1  }
0x46: {  	[tilespmem:$0x22C0] =	vst v1  }
0x47: {  	[tilespmem:$0x22D0] =	vst v1  }
0x48: {  	[tilespmem:$0x22E0] =	vst v1  }
0x49: {  	[tilespmem:$0x22F0] =	vst v1  }
0x4a: {  	[spmem:s5] =	stream.linear.scatter [tilespmem:s10], [sflag:$0x5], $0x280, $0x38;
	[tilespmem:$0x2580] =	vst v63  }
0x4b: {  	_ =	swait.ge [sflag:s11], $0x280  }
0x4c: {  	[sflag:s11] =	ssyncset.done $0x0  }
0x4d: {  	[sflag:s11] =	ssyncadd.s32 $0xFFFFFD80  }
.Ltmp2:
0x4e: {  	[bflag:$0x0] =	sbarrier.arrive $0xFFFF;
	(pc) =	sbr.rel .LBB2_2-.Ltmp2, $4  }
0x4f: {  	[tilespmem:s3], [sflag:$0x5] =	stream.linear.gather [hbm4b:s6+s3], $0xC80, $0x38;
	[tilespmem:$0x2580] =	vst v63  }
0x50: {  	_ =	swait.ge [sflag:s11], $0xC80  }
0x51: {  	[sflag:s11] =	ssyncset.done $0x0  }
0x52: {  	s22 =	simm.s32 $0x0;
	[sflag:s11] =	ssyncadd.s32 $0xFFFFF380  }
.LBB2_5:
0x53: {  	p1 =	sne.s32 @!p0 s29, $0x18  }
0x54: {  	p0 =	por p0, p1  }
.Ltmp3:
0x55: {  	_ = 	snop;
	(pc) =	sbr.rel @p0 .LBB2_4-.Ltmp3, $1  }
0x56: {  	_ =	sdelay $0x3  }
0x57: {  	s26 =	sadd.s32 $0x1, s26  }
0x58: {  	_ =	swait.ge [sflag:s26], $0xC80  }
0x59: {  	[sflag:s26] =	ssyncset.done $0x0  }
0x5a: {  	[sflag:s26] =	ssyncadd.s32 $0xFFFFF380  }
.LBB2_7:
0x5b: {  	s26 =	sadd.s32 $0x3, s25  }
0x5c: {  	_ =	swait.ge [sflag:s26], $0x50  }
0x5d: {  	[sflag:s26] =	ssyncset.done $0x0  }
0x5e: {  	[sflag:s26] =	ssyncadd.s32 $0xFFFFFFB0  }
.LBB2_8:
0x5f: {  	s22 =	sadd.s32 $0x1, s22  }
0x60: {  	p0 =	sne.s32 s22, $0x7D  }
.Ltmp4:
0x61: {  	_ = 	snop;
	(pc) =	sbr.rel @!p0 .LBB2_9-.Ltmp4, $4  }
0x62: {  	s23 =	sand.u32 $0xFF, s23  }
0x63: {  	s24 =	sshll.u32 s24, $0xC;
	s23 =	sshll.u32 s23, $0x7  }
0x64: {  	s31 =	sadd.s32 $0x3, s25;
	s23 =	sadd.s32 s23, s24  }
0x65: {  	[spmem:s1] =	stream.indirect.scatter.add.f32 [tilespmem:s13], [sflag:s31], $0x1, s23, s12, $0xb8;
	[tilespmem:$0x2580] =	vst v63  }
.LBB2_2:
0x66: {  	s23 =	smul.u32 $0x29, s22;
	_ =	sdelay $0x1  }
0x67: {  	s24 =	sshrl.u32 s23, $0xA  }
0x68: {  	s28 =	sand.u32 $0x3F, s24  }
0x69: {  	s31 =	smul.u32 $0x19, s28;
	_ =	sdelay $0x1  }
0x6a: {  	p0 =	sgt.u32 s22, $0x63;
	s23 =	ssub.s32 s22, s31  }
0x6b: {  	s29 =	sand.u32 @!p0 $0xFF, s23  }
0x6c: {  	p1 =	sne.s32 @!p0 s29, $0x0  }
0x6d: {  	p1 =	por p0, p1  }
.Ltmp5:
0x6e: {  	_ = 	snop;
	(pc) =	sbr.rel @p1 .LBB2_5-.Ltmp5, $3  }
0x6f: {  	_ =	sdelay $0x1  }
0x70: {  	s24 =	sand.u32 $0x1, s24  }
0x71: {  	s25 =	sand.u32 $0x1, s22;
	s26 =	sxor.u32 $0x1, s24  }
0x72: {  	s28 =	sshll.u32 s28, $0xC  }
0x73: {  	s28 =	sadd.s32 s28, s7  }
0x74: {  	s28 =	sshrl.u32 s28, $0x3  }
0x75: {  	s29 =	sshll.u32 s26, $0xC;
	s31 =	sadd.s32 $0x1, s26;
	s28 =	sadd.s32 s4, s28  }
0x76: {  	[tilespmem:s29], [sflag:s31] =	stream.linear.gather [hbm4b:s28+s3], $0xC80, $0x38;
	[tilespmem:$0x2580] =	vst v63  }
.LBB2_4:
0x77: {  	p0 =	slt.u32 s22, $0x2  }
.Ltmp6:
0x78: {  	_ = 	snop;
	(pc) =	sbr.rel @p0 .LBB2_8-.Ltmp6, $4  }
.Ltmp7:
0x79: {  	_ = 	snop;
	(pc) =	sbr.rel @!p0 .LBB2_7-.Ltmp7, $4  }
0x7a: {  	_ = 	snop  }
0x7b: {  	_ = 	snop  }
0x7c: {  	_ = 	snop  }
0x7d: {  	_ = 	snop  }
.LBB2_10:
0x7e: {  	_ =	sfence.sel $0x180000  }
0x7f: {  	[bflag:$0x0] =	sbarrier.arrive $0xFFFF  }
0x80: {  	p0 =	sne.s32 s2, $0x0;
	_ =	strace $0x90000047  }
0x81: {  	s0 =	sadd.s32 @!p0 $0x100000, s0;
	[bflag:$0x2] =	sbarrier.arrive $0xFFFF  }
0x82: {  	[sflag:s0] =	ssyncadd.tile.s32 @!p0 $0x1;
	_ =	shalt  }
.Lfunc_end2:
_tile_overlayer_lowered:
.L_overlay_start_2:
0x83: {  	(tag) =	ssettag $0x2  }
0x84: {  	s0 =	rddreg [dreg:$0x0];
	s2 =	stileid.u32  }
0x85: {  	s1 =	rddreg [dreg:$0x1];
	p0 =	sne.s32 s2, $0x0  }
0x86: {  	s3 =	rddreg [dreg:$0x2];
	[bflag:$0x3] =	sbarrier.arrive $0xFFFF;
	s2 =	simm.s32 @!p0 $0x1C05  }
0x87: {  	[timem:s3], [sflag:s2] =	dma.local @!p0 [hbm:s0], s1  }
0x88: {  	s0 =	simm.s32 @!p0 $0x5  }
0x89: {  	_ =	swait.ge @!p0 [sflag:s0], s1  }
0x8a: {  	s1 =	ssub.s32 @!p0 $0x0, s1;
	[sflag:s0] =	ssyncset.done @!p0 $0x0  }
0x8b: {  	[sflag:s0] =	ssyncadd.s32 @!p0 s1  }
0x8c: {  	[bflag:$0x3] =	sbarrier.arrive $0xFFFF  }
0x8d: {  	_ =	shalt  }

// kernel: kernel.9.cloned.1.call-start
scs
__scs_entry_jumppad:
0x0: {  	(pc) =	sbr.rel $0x88, $3  }
0x1: {  	(tag) =	ssettag $0x0;
	lr =	simm.s32 $0x1  }
0x2: {  	[smem:$0x3F9D] =	sst lr;
	_ =	strace $0xD0000000  }
0x3: {  	_ = 	snop  }
0x4: {  	_ = 	snop  }
0x5: {  	_ = 	snop  }
0x6: {  	_ = 	snop  }
0x7: {  	_ = 	snop  }
__scs_overlays_trampoline_lowered:
0x8: {  	[smem:$0x3FAC] =	sst s0  }
0x9: {  	[smem:$0x3FAD] =	sst s1  }
0xa: {  	[smem:$0x3FAE] =	sst s2  }
0xb: {  	[smem:$0x3FAF] =	sst s3  }
0xc: {  	[smem:$0x3FB0] =	sst s4  }
0xd: {  	[smem:$0x3FB1] =	sst s5  }
0xe: {  	[smem:$0x3FB2] =	sst s6  }
0xf: {  	[smem:$0x3FB3] =	sst s7  }
0x10: {  	[smem:$0x3FB4] =	sst s8  }
0x11: {  	[smem:$0x3FB5] =	sst s9;
	s0 =	simm.s32 @!p0 $0x0  }
0x12: {  	s1 =	sld [smem:$0x3F9B];
	s0 =	simm.s32 @p0 $0x1  }
0x13: {  	[smem:$0x3FB6] =	sst s0;
	s0 =	simm.s32 @!p1 $0x0  }
0x14: {  	s2 =	sld [smem:$0x3F9A];
	s0 =	simm.s32 @p1 $0x1  }
0x15: {  	[smem:$0x3FB7] =	sst s0;
	s0 =	simm.s32 @!p2 $0x0  }
0x16: {  	s3 =	sld [smem:$0x3FDB];
	s0 =	simm.s32 @p2 $0x1  }
0x17: {  	s4 =	simm.s32 $0x1BF5;
	[smem:$0x3FB9] =	sst s0  }
0x18: {  	s0 =	sld [smem:$0x3F9C];
	_ =	swait.ge [sflag:s4], $0x0  }
0x19: {  	s7 =	sld [smem:$0x3F9D]  }
0x1a: {  	s8 =	sadd.s32 $0xFFFFE003, lr  }
0x1b: {  	s9 =	sadd.s32 $0xFFFFFEF7, lr;
	s5 =	simm.s32 $0xFFFFFFFF;
	p2 =	slt.u32 s8, $0xFFFFF086  }
0x1c: {  	p1 =	slt.u32 s9, $0xF7A;
	s5 =	simm.s32 @!p2 $0x0  }
0x1d: {  	s5 =	simm.s32 @p1 $0x1;
	p0 =	seq.s32 s7, s2  }
0x1e: {  	s7 =	smul.u32 @!p0 $0xF7A, s2;
	p2 =	seq.s32 @!p0 s5, $0x0  }
0x1f: {  	s9 =	smul.u32 $0xF7A, s1;
	s8 =	simm.s32 @!p0 $0x1BF5;
	p2 =	por !p2, p0  }
0x20: {  	[sflag:s8] =	ssyncset.s32 @!p0 $0xFFFFF086;
	s6 =	sadd.s32 @!p0 s3, s7;
	s7 =	simm.s32 @!p0 $0x108  }
0x21: {  	s3 =	sadd.s32 s3, s9;
	s6 =	sadd.s32 @!p0 $0x88, s6;
	s7 =	simm.s32 @p2 $0x1082  }
0x22: {  	[simem:s7], [sflag:s8] =	dma.local @!p0 [hbm:s6], $0xF7A  }
0x23: {  	s9 =	sor.u32 $0xD0000000, s2;
	s6 =	simm.s32 $0x108;
	_ =	swait.ge @!p0 [sflag:s8], $0x0  }
0x24: {  	s3 =	sadd.s32 $0x88, s3;
	s6 =	simm.s32 @!p1 $0x1082;
	[sflag:s4] =	ssyncset.s32 $0xFFFFF086  }
0x25: {  	[simem:s6], [sflag:s4] =	dma.local [hbm:s3], $0xF7A  }
0x26: {  	[smem:$0x3F9D] =	sst s1;
	(tag) =	ssettag s2;
	_ =	strace s9  }
0x27: {  	s1 =	sld [smem:$0x3FAD]  }
0x28: {  	s2 =	sld [smem:$0x3FAE]  }
0x29: {  	s4 =	sld [smem:$0x3FB0]  }
0x2a: {  	p0 =	seq.s32 s5, $0x0;
	s5 =	sld [smem:$0x3FB1]  }
0x2b: {  	s6 =	sld [smem:$0x3FB2]  }
0x2c: {  	s7 =	sld [smem:$0x3FB3]  }
0x2d: {  	s3 =	simm.s32 $0x108;
	s8 =	sld [smem:$0x3FB4]  }
0x2e: {  	s3 =	simm.s32 @!p0 $0x1082;
	s9 =	sld [smem:$0x3FB5]  }
0x2f: {  	lr =	sadd.s32 s0, s3;
	s0 =	sld [smem:$0x3FAC]  }
0x30: {  	s3 =	sld [smem:$0x3FAF]  }
0x31: {  	[smem:$0x3FB8] =	sst s10  }
0x32: {  	s10 =	sld [smem:$0x3FB6];
	_ =	sdelay $0x3  }
0x33: {  	p0 =	seq.s32 s10, $0x1;
	s10 =	sld [smem:$0x3FB8];
	_ =	sdelay $0x3  }
0x34: {  	[smem:$0x3FB8] =	sst s10  }
0x35: {  	s10 =	sld [smem:$0x3FB7];
	_ =	sdelay $0x3  }
0x36: {  	p1 =	seq.s32 s10, $0x1;
	s10 =	sld [smem:$0x3FB8];
	_ =	sdelay $0x3  }
0x37: {  	[smem:$0x3FB8] =	sst s10  }
0x38: {  	s10 =	sld [smem:$0x3FB9]  }
0x39: {  	_ = 	snop;
	(pc) =	sbr.ind lr, $3  }
0x3a: {  	_ = 	snop  }
0x3b: {  	_ = 	snop  }
0x3c: {  	p2 =	seq.s32 s10, $0x1;
	s10 =	sld [smem:$0x3FB8]  }
0x3d: {  	_ =	shalt  }
0x3e: {  	_ =	shalt  }
0x3f: {  	_ =	shalt  }
0x40: {  	_ =	shalt  }
0x41: {  	_ =	shalt  }
0x42: {  	_ =	shalt  }
0x43: {  	_ =	shalt  }
0x44: {  	_ =	shalt  }
0x45: {  	_ =	shalt  }
0x46: {  	_ =	shalt  }
0x47: {  	_ =	shalt  }
0x48: {  	_ =	shalt  }
0x49: {  	_ =	shalt  }
0x4a: {  	_ =	shalt  }
0x4b: {  	_ =	shalt  }
0x4c: {  	_ =	shalt  }
0x4d: {  	_ =	shalt  }
0x4e: {  	_ =	shalt  }
0x4f: {  	_ =	shalt  }
0x50: {  	_ =	shalt  }
0x51: {  	_ =	shalt  }
0x52: {  	_ =	shalt  }
0x53: {  	_ =	shalt  }
0x54: {  	_ =	shalt  }
0x55: {  	_ =	shalt  }
0x56: {  	_ =	shalt  }
0x57: {  	_ =	shalt  }
0x58: {  	_ =	shalt  }
0x59: {  	_ =	shalt  }
0x5a: {  	_ =	shalt  }
0x5b: {  	_ =	shalt  }
0x5c: {  	_ =	shalt  }
0x5d: {  	_ =	shalt  }
0x5e: {  	_ =	shalt  }
0x5f: {  	_ =	shalt  }
0x60: {  	_ =	shalt  }
0x61: {  	_ =	shalt  }
0x62: {  	_ =	shalt  }
0x63: {  	_ =	shalt  }
0x64: {  	_ =	shalt  }
0x65: {  	_ =	shalt  }
0x66: {  	_ =	shalt  }
0x67: {  	_ =	shalt  }
0x68: {  	_ =	shalt  }
0x69: {  	_ =	shalt  }
0x6a: {  	_ =	shalt  }
0x6b: {  	_ =	shalt  }
0x6c: {  	_ =	shalt  }
0x6d: {  	_ =	shalt  }
0x6e: {  	_ =	shalt  }
0x6f: {  	_ =	shalt  }
0x70: {  	_ =	shalt  }
0x71: {  	_ =	shalt  }
0x72: {  	_ =	shalt  }
0x73: {  	_ =	shalt  }
0x74: {  	_ =	shalt  }
0x75: {  	_ =	shalt  }
0x76: {  	_ =	shalt  }
0x77: {  	_ =	shalt  }
0x78: {  	_ =	shalt  }
0x79: {  	_ =	shalt  }
0x7a: {  	_ =	shalt  }
0x7b: {  	_ =	shalt  }
0x7c: {  	_ =	shalt  }
0x7d: {  	_ =	shalt  }
0x7e: {  	_ =	shalt  }
0x7f: {  	_ =	shalt  }
0x80: {  	_ =	shalt  }
0x81: {  	_ =	shalt  }
0x82: {  	_ =	shalt  }
0x83: {  	_ =	shalt  }
0x84: {  	_ =	shalt  }
0x85: {  	_ =	shalt  }
0x86: {  	_ =	shalt  }
0x87: {  	_ =	shalt  }
.Lfunc_end0:
.L_simem_size_0:
called_computation.1_lowered:
.L_overlay_start_0:
0x88: {  	s2 =	sld [smem:$0x3FD9]  }
0x89: {  	s3 =	sld [smem:$0x3FFE];
	_ =	sdelay $0x1  }
0x8a: {  	s1 =	srdreg.scid  }
0x8b: {  	s0 =	sand.u32 $0x1, s1  }
0x8c: {  	s17 =	sshll.u32 s0, $0xA;
	s2 =	sadd.s32 s3, s2  }
0x8d: {  	s2 =	sadd.s32 s2, s17  }
0x8e: {  	[smem:$0x3FC4] =	sst s2  }
0x8f: {  	_ = 	snop  }
0x90: {  	s2 =	sld [smem:$0x3FD0];
	(tm) =	ssettm $0x1  }
0x91: {  	s18 =	sld [smem:$0x3FFB];
	_ =	sdelay $0x3  }
0x92: {  	_ =	strace s18  }
0x93: {  	s3 =	sld [smem:$0x3FFC];
	_ =	sdelay $0x3  }
0x94: {  	_ =	strace s3  }
0x95: {  	s3 =	sld [smem:$0x3FFD];
	_ =	sdelay $0x3  }
0x96: {  	_ =	strace s3  }
0x97: {  	_ =	strace $0x8FFFFFFF  }
0x98: {  	s19 =	sld [smem:$0x3FDB];
	_ =	sdelay $0x1  }
0x99: {  	s4 =	simm.s32 $_scs_section_size  }
0x9a: {  	s5 =	simm.s32 $_size__tile_overlayer_lowered;
	s6 =	simm.s32 $_tile_overlayer_lowered  }
0x9b: {  	s22 =	simm.s32 $0x1BFF;
	s21 =	sshll.u32 s6, $0x1;
	s3 =	sadd.s32 s4, s19  }
0x9c: {  	s7 =	simm.s32 $0x0;
	s20 =	sshll.u32 s5, $0x1;
	s5 =	sadd.s32 s21, s3  }
0x9d: {  	[timem:s7], [sflag:s22] =	dma.local [hbm:s5], s20  }
0x9e: {  	_ =	swait.ge [sflag:s22], s20  }
0x9f: {  	s4 =	ssub.s32 $0x0, s20;
	[sflag:s22] =	ssyncset.done $0x0  }
0xa0: {  	[sflag:s22] =	ssyncadd.s32 s4;
	_ =	sdelay $0x1  }
0xa1: {  	s23 =	simm.s32 $0x1B8B  }
0xa2: {  	_ =	swait.ge [sflag:s23], $0x1  }
0xa3: {  	[sflag:s23] =	ssyncset.done $0x0  }
0xa4: {  	s25 =	simm.s32 $0x1B8E;
	s24 =	sld [smem:$0x3FFE];
	[sflag:s23] =	ssyncadd.s32 $0xFFFFFFFF  }
0xa5: {  	s26 =	simm.s32 $execute0_lowered;
	[smem:$0x3FD2] =	sst s25  }
0xa6: {  	s5 =	sshll.u32 s26, $0x1;
	_ =	strace $0x80000049;
	[dreg:$0x1] =	wrdreg $0xFFFFFFFF  }
0xa7: {  	s28 =	simm.s32 $_size_execute0_lowered;
	s3 =	sadd.s32 s3, s5;
	[dreg:$0x0] =	wrdreg $0x0  }
0xa8: {  	s5 =	sshll.u32 s28, $0x1;
	[dreg:$0x2] =	wrdreg s3  }
0xa9: {  	[dreg:$0x3] =	wrdreg s5  }
0xaa: {  	[dreg:$0x4] =	wrdreg $0xC0  }
0xab: {  	_ =	task [dreg:s7], $0x5FFFF  }
0xac: {  	[dreg:$0x1] =	wrdreg $0xFFFFFFFF  }
0xad: {  	[dreg:$0x0] =	wrdreg $0x60  }
0xae: {  	[dreg:$0x2] =	wrdreg s2  }
0xaf: {  	[dreg:$0x3] =	wrdreg s24  }
0xb0: {  	[dreg:$0x4] =	wrdreg $0xB8000  }
0xb1: {  	[dreg:$0x5] =	wrdreg $0x9  }
0xb2: {  	_ =	task.clear_ibuf [dreg:s7], $0x6FFFF;
	_ =	strace $0x90000049  }
0xb3: {  	s29 =	simm.s32 $0x9;
	_ =	strace $0x8000004B  }
0xb4: {  	_ =	swait.ge [sflag:s29], $0x1  }
0xb5: {  	[sflag:s29] =	ssyncadd.s32 $0xFFFFFFFF  }
0xb6: {  	_ =	strace $0x9000004B  }
0xb7: {  	_ =	sfence  }
0xb8: {  	s30 =	sld [smem:$0x0];
	_ =	sdelay $0x2  }
0xb9: {  	s31 =	sshll.u32 s1, $0xD;
	s1 =	sshrl.u32 s1, $0x2  }
0xba: {  	s3 =	sand.u32 $0x4000, s31;
	s1 =	sadd.s32 s1, s30  }
0xbb: {  	s0 =	sor.u32 s3, s0;
	s1 =	sshll.u32 s1, $0x11  }
0xbc: {  	s0 =	sor.u32 s1, s0  }
0xbd: {  	s0 =	sadd.s32 $0x8F2B, s0  }
0xbe: {  	[sflag:s0] =	ssyncadd.remote.s32 $0x1  }
0xbf: {  	_ =	sfence.sel $0xFFFF  }
0xc0: {  	[dreg:$0x0] =	wrdreg $0xFFFFFFFF;
	(pc) =	sbr.abs _section_cstart, $3  }
0xc1: {  	[dreg:$0x1] =	wrdreg $0xFFFFFFFF  }
0xc2: {  	_ =	task.clear_ibuf [dreg:s7], $0x2FFFF;
	_ =	strace $0x9FFFFFFF  }
0xc3: {  	(tm) =	ssettm $0x7FFFFFFF  }
tec
execute0_lowered:
.L_overlay_start_1:
0x0: {  	(tag) =	ssettag $0x1  }
0x1: {  	s1 =	rddreg [dreg:$0x0]  }
0x2: {  	s0 =	rddreg [dreg:$0x1]  }
0x3: {  	s2 =	rddreg [dreg:$0x2];
	s3 =	srdreg.scid  }
0x4: {  	s4 =	simm.s32 $0x0;
	s10 =	stileid.u32;
	s19 =	simm.s32 $0x4000  }
0x5: {  	s20 =	simm.s32 $0xB;
	s22 =	simm.s32 $0x50;
	s7 =	smul.u32 $0x14000, s10  }
0x6: {  	s23 =	simm.s32 $0x9;
	s24 =	simm.s32 $0x8;
	s29 =	smul.u32 $0x50000, s10  }
0x7: {  	s25 =	simm.s32 $0x0;
	s3 =	sand.u32 $0x1, s3;
	s10 =	smul.u32 $0x5000, s10  }
0x8: {  	[smem:$0x7FF] =	sst s4;
	s5 =	sadd.s32 $0x1C00, s0;
	s6 =	smul.u32 $0x140000, s3  }
0x9: {  	_ =	strace $0x8000004A;
	s8 =	ssub.s32 $0x2, s3;
	s3 =	smul.u32 $0x50000, s3  }
0xa: {  	s9 =	sshrl.u32 s8, $0x1;
	s6 =	sadd.s32 s7, s6;
	s7 =	sshrl.u32 s29, $0x2  }
0xb: {  	s18 =	ssub.s32 s8, s9;
	s3 =	sadd.s32 s10, s3;
	s6 =	sshrl.u32 s6, $0x3  }
0xc: {  	s31 =	sshrl.u32 s3, $0x3;
	s16 =	sadd.s32 $0x1000, s3;
	s18 =	smax.u32 s18, $0x1  }
.Ltmp0:
0xd: {  	s0 =	sadd.s32 s6, s0;
	s6 =	sadd.s32 s7, s2;
	(pc) =	sbr.rel .LBB2_1-.Ltmp0, $4  }
0xe: {  	s13 =	sadd.s32 s5, s31;
	s7 =	sadd.s32 $0x2800, s6;
	s30 =	sadd.s32 $0x5000, s6  }
0xf: {  	s9 =	sadd.s32 $0x7800, s6;
	s10 =	sadd.s32 $0xA000, s6;
	s11 =	sadd.s32 $0xC800, s6  }
0x10: {  	s12 =	sadd.s32 $0xF000, s6;
	s14 =	sadd.s32 $0x11800, s6;
	[dreg:$0x4] =	wrdreg s7  }
0x11: {  	v0 =	vimm.f32 $0.0e+00;
	s15 =	sadd.s32 $0x14000, s13;
	s17 =	sadd.s32 $0x29C00, s0;
	[dreg:$0x5] =	wrdreg s30  }
.LBB2_12:
0x12: {  	_ =	swait.ge [sflag:s23], $0x2800  }
0x13: {  	[sflag:s23] =	ssyncset.done $0x0  }
0x14: {  	[sflag:s23] =	ssyncadd.s32 $0xFFFFD800  }
0x15: {  	s0 =	stileid.u32;
	_ =	swait.ge [sflag:s24], $0x2800  }
0x16: {  	s3 =	sshrl.u32 s6, $0x3;
	s25 =	sadd.s32 $0x1, s25;
	[sflag:s24] =	ssyncset.done $0x0  }
0x17: {  	s0 =	sshll.u32 s0, $0x6;
	p0 =	sne.s32 s25, s18;
	[sflag:s24] =	ssyncadd.s32 $0xFFFFD800  }
.Ltmp1:
0x18: {  	s0 =	sor.u32 $0x1C0B, s0;
	[bflag:$0x0] =	sbarrier.arrive $0xFFFF;
	(pc) =	sbr.rel @!p0 .LBB2_13-.Ltmp1, $4  }
0x19: {  	[hbm:s17], [sflag:s0] =	dma.local [spmem:s3], $0x2800  }
0x1a: {  	_ =	swait.ge [sflag:s20], $0x2800  }
0x1b: {  	[sflag:s20] =	ssyncset.done $0x0  }
0x1c: {  	[sflag:s20] =	ssyncadd.s32 $0xFFFFD800  }
.LBB2_1:
0x1d: {  	s0 =	simm.s32 $0x0;
	s3 =	simm.s32 $0x200  }
.LBB2_2:
0x1e: {  	p0 =	sne.s32 s3, $0x9E00;
	[tilespmem:s0+$0x4070] =	vst v0  }
0x1f: {  	[tilespmem:s0+$0x4000] =	vst v0  }
0x20: {  	[tilespmem:s0+$0x4010] =	vst v0  }
.Ltmp2:
0x21: {  	[tilespmem:s0+$0x4020] =	vst v0;
	(pc) =	sbr.rel @p0 .LBB2_2-.Ltmp2, $4  }
0x22: {  	[tilespmem:s0+$0x4030] =	vst v0  }
0x23: {  	[tilespmem:s0+$0x4040] =	vst v0  }
0x24: {  	[tilespmem:s0+$0x4050] =	vst v0  }
0x25: {  	[tilespmem:s0+$0x4060] =	vst v0;
	s0 =	sshra.s32 s3, $0x2;
	s3 =	sadd.s32 $0x200, s3  }
0x26: {  	[tilespmem:s0+$0x4070] =	vst v0  }
0x27: {  	[tilespmem:s0+$0x4000] =	vst v0  }
0x28: {  	[tilespmem:s0+$0x4010] =	vst v0  }
0x29: {  	[tilespmem:s0+$0x4020] =	vst v0  }
0x2a: {  	[tilespmem:s0+$0x4030] =	vst v0  }
0x2b: {  	[tilespmem:s0+$0x4040] =	vst v0  }
0x2c: {  	[tilespmem:s0+$0x4050] =	vst v0  }
0x2d: {  	[tilespmem:s0+$0x4060] =	vst v0  }
0x2e: {  	[spmem:s6] =	stream.linear.scatter [tilespmem:s19], [sflag:$0xB], $0x2800, $0x38;
	[tilespmem:$0x1F800] =	vst v63  }
0x2f: {  	_ =	swait.ge [sflag:s20], $0x2800  }
0x30: {  	[sflag:s20] =	ssyncset.done $0x0  }
0x31: {  	s29 =	rddreg [dreg:$0x4];
	[sflag:s20] =	ssyncadd.s32 $0xFFFFD800  }
0x32: {  	[spmem:s29] =	stream.linear.scatter [tilespmem:s19], [sflag:$0xB], $0x2800, $0x38;
	[tilespmem:$0x1F800] =	vst v63  }
0x33: {  	_ =	swait.ge [sflag:s20], $0x2800  }
0x34: {  	[sflag:s20] =	ssyncset.done $0x0  }
0x35: {  	s30 =	rddreg [dreg:$0x5];
	[sflag:s20] =	ssyncadd.s32 $0xFFFFD800  }
0x36: {  	[spmem:s30] =	stream.linear.scatter [tilespmem:s19], [sflag:$0xB], $0x2800, $0x38;
	[tilespmem:$0x1F800] =	vst v63  }
0x37: {  	_ =	swait.ge [sflag:s20], $0x2800  }
0x38: {  	[sflag:s20] =	ssyncset.done $0x0  }
0x39: {  	[sflag:s20] =	ssyncadd.s32 $0xFFFFD800  }
0x3a: {  	[spmem:s9] =	stream.linear.scatter [tilespmem:s19], [sflag:$0xB], $0x2800, $0x38;
	[tilespmem:$0x1F800] =	vst v63  }
0x3b: {  	_ =	swait.ge [sflag:s20], $0x2800  }
0x3c: {  	[sflag:s20] =	ssyncset.done $0x0  }
0x3d: {  	[sflag:s20] =	ssyncadd.s32 $0xFFFFD800  }
0x3e: {  	[spmem:s10] =	stream.linear.scatter [tilespmem:s19], [sflag:$0xB], $0x2800, $0x38;
	[tilespmem:$0x1F800] =	vst v63  }
0x3f: {  	_ =	swait.ge [sflag:s20], $0x2800  }
0x40: {  	[sflag:s20] =	ssyncset.done $0x0  }
0x41: {  	[sflag:s20] =	ssyncadd.s32 $0xFFFFD800  }
0x42: {  	[spmem:s11] =	stream.linear.scatter [tilespmem:s19], [sflag:$0xB], $0x2800, $0x38;
	[tilespmem:$0x1F800] =	vst v63  }
0x43: {  	_ =	swait.ge [sflag:s20], $0x2800  }
0x44: {  	[sflag:s20] =	ssyncset.done $0x0  }
0x45: {  	[sflag:s20] =	ssyncadd.s32 $0xFFFFD800  }
0x46: {  	[spmem:s12] =	stream.linear.scatter [tilespmem:s19], [sflag:$0xB], $0x2800, $0x38;
	[tilespmem:$0x1F800] =	vst v63  }
0x47: {  	_ =	swait.ge [sflag:s20], $0x2800  }
0x48: {  	[sflag:s20] =	ssyncset.done $0x0  }
0x49: {  	[sflag:s20] =	ssyncadd.s32 $0xFFFFD800  }
0x4a: {  	[spmem:s14] =	stream.linear.scatter [tilespmem:s19], [sflag:$0xB], $0x2800, $0x38;
	[tilespmem:$0x1F800] =	vst v63  }
0x4b: {  	_ =	swait.ge [sflag:s20], $0x2800  }
0x4c: {  	[sflag:s20] =	ssyncset.done $0x0  }
0x4d: {  	[sflag:s20] =	ssyncadd.s32 $0xFFFFD800  }
0x4e: {  	s26 =	simm.s32 $0x0;
	[bflag:$0x0] =	sbarrier.arrive $0xFFFF  }
0x4f: {  	[tilespmem:s26], [sflag:$0xB] =	stream.linear.gather [hbm4b:s13+s26], $0xC80, $0x38;
	[tilespmem:$0x1F800] =	vst v63  }
0x50: {  	_ =	swait.ge [sflag:s20], $0xC80  }
0x51: {  	[sflag:s20] =	ssyncset.done $0x0  }
0x52: {  	s31 =	simm.s32 $0x2000;
	[sflag:s20] =	ssyncadd.s32 $0xFFFFF380  }
0x53: {  	[tilespmem:s31], [sflag:$0xB] =	stream.linear.gather [hbm4b:s15+s26], $0xC80, $0x38;
	[tilespmem:$0x1F800] =	vst v63  }
.Ltmp3:
0x54: {  	_ = 	snop;
	(pc) =	sbr.rel .LBB2_4-.Ltmp3, $4  }
0x55: {  	_ =	swait.ge [sflag:s20], $0xC80  }
0x56: {  	[sflag:s20] =	ssyncset.done $0x0  }
0x57: {  	[sflag:s20] =	ssyncadd.s32 $0xFFFFF380  }
0x58: {  	[tilespmem:s19], [sflag:$0x1] =	stream.indirect.gather [hbm4b:s1+s22], $0x80, s26, s22, $0xb8;
	[tilespmem:$0x1F800] =	vst v63  }
.LBB2_10:
0x59: {  	s3 =	smul.u32 $0x29, s28;
	_ =	sdelay $0x1  }
0x5a: {  	s7 =	sshrl.u32 s3, $0xA  }
0x5b: {  	s7 =	sand.u32 $0x3F, s7  }
0x5c: {  	s7 =	smul.u32 $0x19, s7;
	_ =	sdelay $0x1  }
0x5d: {  	s8 =	smul.u32 $0xA000, s0;
	s7 =	ssub.s32 s28, s7  }
0x5e: {  	s3 =	sshll.u32 s3, $0x2;
	s7 =	sand.u32 $0xFF, s7  }
0x5f: {  	s8 =	sshrl.u32 s8, $0x2;
	s3 =	sand.u32 $0x1000, s3;
	s7 =	sshll.u32 s7, $0x7  }
0x60: {  	s21 =	sadd.s32 $0x1, s0;
	s8 =	sadd.s32 $0x4000, s8;
	s3 =	sor.u32 s7, s3  }
0x61: {  	[tilespmem:s8], [sflag:s21] =	stream.indirect.gather [hbm4b:s1+s22], $0x80, s3, s22, $0xb8;
	[tilespmem:$0x1F800] =	vst v63  }
.LBB2_11:
0x62: {  	s0 =	sshrl.u32 s30, $0x9  }
0x63: {  	s0 =	sand.u32 $0x7F, s0  }
0x64: {  	s0 =	smul.u32 $0x3, s0;
	_ =	sdelay $0x1  }
0x65: {  	s0 =	ssub.s32 s26, s0  }
0x66: {  	s7 =	sand.u32 $0xFF, s29;
	s21 =	sshll.u32 s31, $0xC;
	s0 =	sand.u32 $0xFF, s0  }
0x67: {  	p0 =	sne.s32 s28, $0x7D;
	s7 =	sshll.u32 s7, $0x7;
	s3 =	smul.u32 $0xA000, s0  }
.Ltmp4:
0x68: {  	s7 =	sadd.s32 s7, s21;
	s8 =	sadd.s32 $0x1, s0;
	(pc) =	sbr.rel @!p0 .LBB2_12-.Ltmp4, $4  }
0x69: {  	s7 =	sadd.s32 $0x2000, s7;
	_ =	swait.ge [sflag:s8], $0x2800  }
0x6a: {  	s26 =	smov.u32 s28;
	s3 =	sshrl.u32 s3, $0x2;
	[sflag:s8] =	ssyncset.done $0x0  }
0x6b: {  	s0 =	sadd.s32 $0x8, s0;
	s3 =	sadd.s32 $0x4000, s3;
	[sflag:s8] =	ssyncadd.s32 $0xFFFFD800  }
0x6c: {  	[spmem:s2] =	stream.indirect.scatter.add.f32 [tilespmem:s3], [sflag:s0], $0x80, s7, s22, $0xb8;
	[tilespmem:$0x1F800] =	vst v63  }
.LBB2_4:
0x6d: {  	s0 =	smul.u32 $0x29, s26;
	_ =	sdelay $0x1  }
0x6e: {  	s30 =	smul.u32 $0xAB, s26;
	s0 =	sshrl.u32 s0, $0xA  }
0x6f: {  	s21 =	sand.u32 $0x3F, s0  }
0x70: {  	s7 =	sadd.s32 $0xAB, s30;
	s3 =	smul.u32 $0x19, s21  }
0x71: {  	s7 =	sshrl.u32 s7, $0x9  }
0x72: {  	p0 =	sgt.u32 s26, $0x63;
	s7 =	sand.u32 $0x7F, s7;
	s29 =	ssub.s32 s26, s3  }
0x73: {  	s3 =	smul.u32 $0x3, s7;
	s7 =	sand.u32 @!p0 $0xFF, s29  }
0x74: {  	p1 =	sne.s32 @!p0 s7, $0x0  }
0x75: {  	p1 =	por p0, p1  }
.Ltmp5:
0x76: {  	_ = 	snop;
	(pc) =	sbr.rel @p1 .LBB2_7-.Ltmp5, $4  }
0x77: {  	_ = 	snop  }
0x78: {  	s28 =	sadd.s32 $0x1, s26  }
0x79: {  	s31 =	sand.u32 $0x1, s0;
	s8 =	ssub.s32 s28, s3  }
0x7a: {  	s3 =	sxor.u32 $0x1, s31;
	s0 =	sand.u32 $0xFF, s8  }
0x7b: {  	s7 =	sshll.u32 s21, $0xC  }
0x7c: {  	s7 =	sadd.s32 s7, s16  }
0x7d: {  	s7 =	sshrl.u32 s7, $0x3  }
0x7e: {  	s21 =	sshll.u32 s3, $0xC;
	s8 =	sor.u32 $0x4, s3;
	s7 =	sadd.s32 s5, s7  }
0x7f: {  	[tilespmem:s21], [sflag:s8] =	stream.linear.gather [hbm4b:s7+s4], $0xC80, $0x38;
	[tilespmem:$0x1F800] =	vst v63  }
0x80: {  	s8 =	sor.u32 $0x2000, s21;
	s21 =	sor.u32 $0x6, s3;
	s7 =	sadd.s32 $0x14000, s7  }
0x81: {  	[tilespmem:s8], [sflag:s21] =	stream.linear.gather [hbm4b:s7+s4], $0xC80, $0x38;
	[tilespmem:$0x1F800] =	vst v63  }
.LBB2_6:
0x82: {  	p0 =	slt.u32 s26, $0x2  }
.Ltmp6:
0x83: {  	_ = 	snop;
	(pc) =	sbr.rel @p0 .LBB2_10-.Ltmp6, $4  }
.Ltmp7:
0x84: {  	_ = 	snop;
	(pc) =	sbr.rel @!p0 .LBB2_9-.Ltmp7, $4  }
0x85: {  	_ = 	snop  }
0x86: {  	_ = 	snop  }
0x87: {  	_ = 	snop  }
0x88: {  	_ = 	snop  }
.LBB2_7:
0x89: {  	p1 =	sne.s32 @!p0 s7, $0x18  }
0x8a: {  	p0 =	por p0, p1  }
.Ltmp8:
0x8b: {  	_ = 	snop;
	(pc) =	sbr.rel @p0 .LBB2_6-.Ltmp8, $1  }
0x8c: {  	_ =	sdelay $0x3  }
0x8d: {  	s7 =	sor.u32 $0x4, s3  }
0x8e: {  	_ =	swait.ge [sflag:s7], $0xC80  }
0x8f: {  	[sflag:s7] =	ssyncset.done $0x0  }
0x90: {  	s21 =	sor.u32 $0x6, s3;
	[sflag:s7] =	ssyncadd.s32 $0xFFFFF380  }
0x91: {  	_ =	swait.ge [sflag:s21], $0xC80  }
0x92: {  	[sflag:s21] =	ssyncset.done $0x0  }
0x93: {  	[sflag:s21] =	ssyncadd.s32 $0xFFFFF380  }
.LBB2_9:
0x94: {  	p0 =	seq.s32 s26, $0x7C  }
.Ltmp9:
0x95: {  	_ = 	snop;
	(pc) =	sbr.rel @p0 .LBB2_11-.Ltmp9, $4  }
.Ltmp10:
0x96: {  	s3 =	sadd.s32 $0x8, s0;
	(pc) =	sbr.rel @!p0 .LBB2_10-.Ltmp10, $4  }
0x97: {  	_ =	swait.ge [sflag:s3], $0x2800  }
0x98: {  	[sflag:s3] =	ssyncset.done $0x0  }
0x99: {  	[sflag:s3] =	ssyncadd.s32 $0xFFFFD800  }
0x9a: {  	_ = 	snop  }
.LBB2_13:
0x9b: {  	_ =	sfence.sel $0x180000  }
0x9c: {  	[bflag:$0x0] =	sbarrier.arrive $0xFFFF  }
0x9d: {  	_ =	strace $0x9000004A  }
0x9e: {  	s0 =	stileid.u32;
	[bflag:$0x2] =	sbarrier.arrive $0xFFFF  }
0x9f: {  	p0 =	sne.s32 s0, $0x0;
	s0 =	rddreg [dreg:$0x3]  }
0xa0: {  	s0 =	sadd.s32 @!p0 $0x100000, s0  }
0xa1: {  	[sflag:s0] =	ssyncadd.tile.s32 @!p0 $0x1;
	_ =	shalt  }
.Lfunc_end2:
_tile_overlayer_lowered:
.L_overlay_start_2:
0xa2: {  	(tag) =	ssettag $0x2  }
0xa3: {  	s0 =	rddreg [dreg:$0x0];
	s2 =	stileid.u32  }
0xa4: {  	s1 =	rddreg [dreg:$0x1];
	p0 =	sne.s32 s2, $0x0  }
0xa5: {  	s3 =	rddreg [dreg:$0x2];
	[bflag:$0x3] =	sbarrier.arrive $0xFFFF;
	s2 =	simm.s32 @!p0 $0x1C0B  }
0xa6: {  	[timem:s3], [sflag:s2] =	dma.local @!p0 [hbm:s0], s1  }
0xa7: {  	s0 =	simm.s32 @!p0 $0xB  }
0xa8: {  	_ =	swait.ge @!p0 [sflag:s0], s1  }
0xa9: {  	s1 =	ssub.s32 @!p0 $0x0, s1;
	[sflag:s0] =	ssyncset.done @!p0 $0x0  }
0xaa: {  	[sflag:s0] =	ssyncadd.s32 @!p0 s1  }
0xab: {  	[bflag:$0x3] =	sbarrier.arrive $0xFFFF  }
0xac: {  	_ =	shalt  }

</sc_bundles>
